<compile_context>
chip_gen: v7x
topology: tpu7x:2x2x1
jax: 0.10.2.dev20260603
libtpu: 0.0.44.dev20260713+nightly
codegen_flags: <defaults>
</compile_context>

<pallas_src>
import functools
import jax
import jax.numpy as jnp
from jax import lax
from jax.experimental import pallas as pl
from jax.experimental.pallas import tpu as pltpu
from jax.experimental.pallas import tpu_sc as plsc

B = 8192
D = 1024
H = 256
E = 3
EP = 128
BM = 512

NC = 2
NS = 16
L = 16
NW = NC * NS
C = 8
WB = 3 * L

RT = 5120
B2 = B - RT


def _gate_kernel(cs_ref, na_ref, gamma_ref, beta_ref, w1a_ref, w1b_ref,
                 b1_ref, w2p_ref, b2p_ref, wts_ref, wb_ref):
    cs = cs_ref[...]
    mu = jnp.mean(cs, axis=1, keepdims=True)
    xc = cs - mu
    var = jnp.mean(xc * xc, axis=1, keepdims=True)
    ns = xc * jax.lax.rsqrt(var + 1e-5) * gamma_ref[...] + beta_ref[...]
    h = (jnp.dot(ns.astype(jnp.bfloat16), w1a_ref[...],
                 preferred_element_type=jnp.float32)
         + jnp.dot(na_ref[...].astype(jnp.bfloat16), w1b_ref[...],
                   preferred_element_type=jnp.float32)
         + b1_ref[...])
    h = 0.5 * h * (1.0 + jax.lax.erf(h * 0.7071067811865476))
    logits = jnp.dot(h, w2p_ref[...], preferred_element_type=jnp.float32) + b2p_ref[...]
    m = jnp.max(logits, axis=1, keepdims=True)
    ex = jnp.exp(logits - m)
    w = ex / jnp.sum(ex, axis=1, keepdims=True)
    wts_ref[...] = w
    wb_ref[...] = jnp.concatenate(
        [jnp.broadcast_to(w[:, 0:1], (BM, L)),
         jnp.broadcast_to(w[:, 1:2], (BM, L)),
         jnp.broadcast_to(w[:, 2:3], (BM, L))], axis=1)


def _gate(cs, na, gamma, beta, w1a, w1b, b1r, w2p, b2p):
    grid = (B // BM,)
    row = lambda i: (i, 0)
    rep = lambda i: (0, 0)
    return pl.pallas_call(
        _gate_kernel,
        grid=grid,
        in_specs=[
            pl.BlockSpec((BM, D), row),
            pl.BlockSpec((BM, D), row),
            pl.BlockSpec((1, D), rep),
            pl.BlockSpec((1, D), rep),
            pl.BlockSpec((D, H), rep),
            pl.BlockSpec((D, H), rep),
            pl.BlockSpec((1, H), rep),
            pl.BlockSpec((H, EP), rep),
            pl.BlockSpec((1, EP), rep),
        ],
        out_specs=[
            pl.BlockSpec((BM, EP), row),
            pl.BlockSpec((BM, WB), row),
        ],
        out_shape=[
            jax.ShapeDtypeStruct((B, EP), jnp.float32),
            jax.ShapeDtypeStruct((B, WB), jnp.float32),
        ],
    )(cs, na, gamma, beta, w1a, w1b, b1r, w2p, b2p)


def _tc_combine_kernel(e0_ref, e1_ref, e2_ref, w_ref, out_ref):
    w = w_ref[...]
    out_ref[...] = (w[:, 0:1] * e0_ref[...]
                    + w[:, 1:2] * e1_ref[...]
                    + w[:, 2:3] * e2_ref[...])


def _tc_combine(e0, e1, e2, wts):
    grid = (RT // BM,)
    row = lambda i: (i, 0)
    return pl.pallas_call(
        _tc_combine_kernel,
        grid=grid,
        in_specs=[
            pl.BlockSpec((BM, D), row),
            pl.BlockSpec((BM, D), row),
            pl.BlockSpec((BM, D), row),
            pl.BlockSpec((BM, EP), row),
        ],
        out_specs=pl.BlockSpec((BM, D), row),
        out_shape=jax.ShapeDtypeStruct((RT, D), jnp.float32),
    )(e0, e1, e2, wts)


_sc_mesh = plsc.VectorSubcoreMesh(core_axis_name="c", subcore_axis_name="s")
_RPW = B2 // NW
_NCH = _RPW // C


@functools.partial(
    pl.kernel,
    out_type=jax.ShapeDtypeStruct((B2, D), jnp.float32),
    mesh=_sc_mesh,
    scratch_types=[
        pltpu.VMEM((2, C, D), jnp.float32),
        pltpu.VMEM((2, C, D), jnp.float32),
        pltpu.VMEM((2, C, D), jnp.float32),
        pltpu.VMEM((2, C, WB), jnp.float32),
        pltpu.VMEM((2, C, D), jnp.float32),
        pltpu.SemaphoreType.DMA,
        pltpu.SemaphoreType.DMA,
        pltpu.SemaphoreType.DMA,
        pltpu.SemaphoreType.DMA,
    ],
)
def _sc_combine(e0_hbm, e1_hbm, e2_hbm, wb_hbm, out_hbm,
                e0v, e1v, e2v, wbv, outv, isem0, isem1, osem0, osem1):
    wid = lax.axis_index("s") * NC + lax.axis_index("c")
    base_in = RT + wid * _RPW
    base_out = wid * _RPW
    isems = (isem0, isem1)
    osems = (osem0, osem1)

    def in_copies(g, b):
        r0 = base_in + g * C
        sem = isems[b]
        return (pltpu.make_async_copy(e0_hbm.at[pl.ds(r0, C)], e0v.at[b], sem),
                pltpu.make_async_copy(e1_hbm.at[pl.ds(r0, C)], e1v.at[b], sem),
                pltpu.make_async_copy(e2_hbm.at[pl.ds(r0, C)], e2v.at[b], sem),
                pltpu.make_async_copy(wb_hbm.at[pl.ds(r0, C)], wbv.at[b], sem))

    def out_copy(g, b):
        r0 = base_out + g * C
        return pltpu.make_async_copy(outv.at[b], out_hbm.at[pl.ds(r0, C)],
                                     osems[b])

    def start_in(g, b):
        for cp in in_copies(g, b):
            cp.start()

    def wait_in(g, b):
        for cp in in_copies(g, b):
            cp.wait()

    def compute_chunk(b):
        def row_body(r, _):
            w0 = wbv[b, r, 0:L]
            w1 = wbv[b, r, L:2 * L]
            w2 = wbv[b, r, 2 * L:3 * L]

            @plsc.parallel_loop(0, D, step=L, unroll=8, carry=(w0, w1, w2))
            def _vecs(off, ws):
                a0, a1, a2 = ws
                sl = pl.ds(off, L)
                outv[b, r, sl] = (a0 * e0v[b, r, sl] + a1 * e1v[b, r, sl]
                                  + a2 * e2v[b, r, sl])
                return ws

            return 0

        lax.fori_loop(0, C, row_body, 0)

    start_in(0, 0)
    start_in(1, 1)

    def super_body(tt, _):
        for b in range(2):
            g = 2 * tt + b
            wait_in(g, b)

            @pl.when(tt > 0)
            def _():
                out_copy(g - 2, b).wait()

            compute_chunk(b)
            out_copy(g, b).start()

            @pl.when(tt < _NCH // 2 - 1)
            def _():
                start_in(g + 2, b)
        return 0

    lax.fori_loop(0, _NCH // 2, super_body, 0)
    out_copy(_NCH - 2, 0).wait()
    out_copy(_NCH - 1, 1).wait()


def kernel(current_state, neighbor_activity, expert_out_0, expert_out_1, expert_out_2, ln_gamma, ln_beta, W1, b1, W2, b2):
    gamma = ln_gamma.reshape(1, D)
    beta = ln_beta.reshape(1, D)
    w1a = W1[:D].astype(jnp.bfloat16)
    w1b = W1[D:].astype(jnp.bfloat16)
    b1r = b1.reshape(1, H)
    w2p = jnp.zeros((H, EP), jnp.float32).at[:, :E].set(W2)
    b2p = jnp.full((1, EP), -1e30, jnp.float32).at[0, :E].set(b2)

    wtsp, wb = _gate(current_state, neighbor_activity, gamma, beta,
                     w1a, w1b, b1r, w2p, b2p)
    bot = _sc_combine(expert_out_0, expert_out_1, expert_out_2, wb)
    top = _tc_combine(expert_out_0, expert_out_1, expert_out_2, wtsp)
    out = jnp.concatenate([top, bot], axis=0)
    return out, wtsp[:, :E]

# --- scband reference (transcript-rebuilt; emitter-appended) ---
"""Pipeline reference for scband-mo-econnection-processor-57200374448217 (READ-ONLY COPY).

The authoritative reference and input builder live on the scoring server;
editing this copy changes nothing except your own understanding.
"""

import jax, jax.numpy as jnp
import numpy as np

B = 8192
D = 1024
H = 256
E = 3

def setup_inputs(seed: int = 0) -> dict:
    key = jax.random.key(seed)
    ks = jax.random.split(key, 8)
    inp = {
        "current_state": jax.random.normal(ks[0], (B, D), dtype=jnp.float32),
        "neighbor_activity": jax.random.normal(ks[1], (B, D), dtype=jnp.float32),
        "expert_out_0": jax.random.normal(ks[2], (B, D), dtype=jnp.float32),
        "expert_out_1": jax.random.normal(ks[3], (B, D), dtype=jnp.float32),
        "expert_out_2": jax.random.normal(ks[4], (B, D), dtype=jnp.float32),
        "ln_gamma": jnp.ones((D,), dtype=jnp.float32),
        "ln_beta": jnp.zeros((D,), dtype=jnp.float32),
        "W1": jax.random.normal(ks[5], (2 * D, H), dtype=jnp.float32) * (1.0 / np.sqrt(2 * D)),
        "b1": jnp.zeros((H,), dtype=jnp.float32),
        "W2": jax.random.normal(ks[6], (H, E), dtype=jnp.float32) * (1.0 / np.sqrt(H)),
        "b2": jnp.zeros((E,), dtype=jnp.float32),
    }
    return inp

def reference(current_state, neighbor_activity, expert_out_0, expert_out_1, expert_out_2, ln_gamma, ln_beta, W1, b1, W2, b2):
    # GatingNetwork.forward (the runnable MoE combine path of MoEConnectionProcessor)
    # context_norm = nn.LayerNorm(state_size)
    mu = jnp.mean(current_state, axis=-1, keepdims=True)
    var = jnp.var(current_state, axis=-1, keepdims=True)
    normalized_state = (current_state - mu) / jnp.sqrt(var + 1e-5) * ln_gamma + ln_beta
    # context = cat([normalized_state, neighbor_activity], dim=-1)
    context = jnp.concatenate([normalized_state, neighbor_activity], axis=-1)
    # gating_network = Linear -> GELU -> Linear -> Softmax
    h = jax.nn.gelu(context @ W1 + b1, approximate=False)
    expert_weights = jax.nn.softmax(h @ W2 + b2, axis=-1)
    # stacked_outputs: [B, E, D]; weighted sum over experts
    stacked_outputs = jnp.stack([expert_out_0, expert_out_1, expert_out_2], axis=1)
    weights_expanded = expert_weights[:, :, None]
    combined_output = jnp.sum(stacked_outputs * weights_expanded, axis=1)
    return (combined_output, expert_weights)

if __name__ == "__main__":
    import jax
    _d = setup_inputs()
    print(jax.jit(kernel)(*tuple(_d.values())))

</pallas_src>

<mosaic_0001>
#map = affine_map<(d0, d1) -> (0, 0)>
module attributes {stable_mosaic.version = 14 : i64} {
  func.func @_sc_combine(%arg0: i32, %arg1: i32, %arg2: memref<8192x1024xf32, #tpu.memory_space<hbm>>, %arg3: memref<8192x1024xf32, #tpu.memory_space<hbm>>, %arg4: memref<8192x1024xf32, #tpu.memory_space<hbm>>, %arg5: memref<8192x48xf32, #tpu.memory_space<hbm>>, %arg6: memref<3072x1024xf32, #tpu.memory_space<hbm>>, %arg7: memref<2x8x1024xf32, #tpu.memory_space<vmem>>, %arg8: memref<2x8x1024xf32, #tpu.memory_space<vmem>>, %arg9: memref<2x8x1024xf32, #tpu.memory_space<vmem>>, %arg10: memref<2x8x48xf32, #tpu.memory_space<vmem>>, %arg11: memref<2x8x1024xf32, #tpu.memory_space<vmem>>, %arg12: memref<!tpu.dma_semaphore, #tpu.memory_space<semaphore_mem>>, %arg13: memref<!tpu.dma_semaphore, #tpu.memory_space<semaphore_mem>>, %arg14: memref<!tpu.dma_semaphore, #tpu.memory_space<semaphore_mem>>, %arg15: memref<!tpu.dma_semaphore, #tpu.memory_space<semaphore_mem>>) attributes {dimension_semantics = [#tpu.dimension_semantics<core_parallel>, #tpu.dimension_semantics<subcore_parallel>], iteration_bounds = array<i64: 2, 16>, scalar_prefetch = 0 : i64, scratch_operands = 9 : i64, tpu.core_type = #tpu.core_type<sc_vector_subcore>, window_params = [{transform_indices = #map}, {transform_indices = #map}, {transform_indices = #map}, {transform_indices = #map}, {transform_indices = #map}]} {
    %mul3A = arith.constant 2 : i32
    %mul3A_0 = arith.muli %arg1, %mul3A : i32
    %add3A = arith.addi %mul3A_0, %arg0 : i32
    %mul3A_1 = arith.constant 96 : i32
    %mul3A_2 = arith.muli %add3A, %mul3A_1 : i32
    %add3A_3 = arith.constant 5120 : i32
    %add3A_4 = arith.addi %add3A_3, %mul3A_2 : i32
    %mul3A_5 = arith.constant 96 : i32
    %mul3A_6 = arith.muli %add3A, %mul3A_5 : i32
    %add3A_7 = arith.constant 0 : i32
    %add3A_8 = arith.addi %add3A_4, %add3A_7 : i32
    %dma_start3A = arith.constant 0 : i32
    %dma_start3A_9 = arith.constant 0 : i32
    %dma_start3A_10 = arith.constant 0 : i32
    %dma_start3A_11 = tpu.memref_slice %arg7[%dma_start3A, %dma_start3A_9, %dma_start3A_10] : memref<2x8x1024xf32, #tpu.memory_space<vmem>> -> memref<1x8x1024xf32, #tpu.memory_space<vmem>>
    %dma_start3A_12 = tpu.memref_squeeze %dma_start3A_11 : memref<1x8x1024xf32, #tpu.memory_space<vmem>> -> memref<8x1024xf32, #tpu.memory_space<vmem>>
    %dma_start3A_13 = arith.constant 0 : i32
    %dma_start3A_14 = tpu.memref_slice %arg2[%add3A_8, %dma_start3A_13] : memref<8192x1024xf32, #tpu.memory_space<hbm>> -> memref<8x1024xf32, #tpu.memory_space<hbm>>
    %dma_start3A_15 = arith.constant 0 : i32
    %dma_start3A_16 = arith.constant 0 : i32
    %dma_start3A_17 = tpu.memref_slice %arg7[%dma_start3A, %dma_start3A_15, %dma_start3A_16] : memref<2x8x1024xf32, #tpu.memory_space<vmem>> -> memref<1x8x1024xf32, #tpu.memory_space<vmem>>
    %dma_start3A_18 = tpu.memref_squeeze %dma_start3A_17 : memref<1x8x1024xf32, #tpu.memory_space<vmem>> -> memref<8x1024xf32, #tpu.memory_space<vmem>>
    %dma_start3A_19 = arith.constant 0 : i32
    %dma_start3A_20 = tpu.memref_slice %arg2[%add3A_8, %dma_start3A_19] : memref<8192x1024xf32, #tpu.memory_space<hbm>> -> memref<8x1024xf32, #tpu.memory_space<hbm>>
    tpu.enqueue_dma source(%dma_start3A_20 : memref<8x1024xf32, #tpu.memory_space<hbm>>) target(%dma_start3A_18 : memref<8x1024xf32, #tpu.memory_space<vmem>>) target_semaphore(%arg12 : memref<!tpu.dma_semaphore, #tpu.memory_space<semaphore_mem>>)
    %dma_start3A_21 = arith.constant 0 : i32
    %dma_start3A_22 = arith.constant 0 : i32
    %dma_start3A_23 = arith.constant 0 : i32
    %dma_start3A_24 = tpu.memref_slice %arg8[%dma_start3A_21, %dma_start3A_22, %dma_start3A_23] : memref<2x8x1024xf32, #tpu.memory_space<vmem>> -> memref<1x8x1024xf32, #tpu.memory_space<vmem>>
    %dma_start3A_25 = tpu.memref_squeeze %dma_start3A_24 : memref<1x8x1024xf32, #tpu.memory_space<vmem>> -> memref<8x1024xf32, #tpu.memory_space<vmem>>
    %dma_start3A_26 = arith.constant 0 : i32
    %dma_start3A_27 = tpu.memref_slice %arg3[%add3A_8, %dma_start3A_26] : memref<8192x1024xf32, #tpu.memory_space<hbm>> -> memref<8x1024xf32, #tpu.memory_space<hbm>>
    %dma_start3A_28 = arith.constant 0 : i32
    %dma_start3A_29 = arith.constant 0 : i32
    %dma_start3A_30 = tpu.memref_slice %arg8[%dma_start3A_21, %dma_start3A_28, %dma_start3A_29] : memref<2x8x1024xf32, #tpu.memory_space<vmem>> -> memref<1x8x1024xf32, #tpu.memory_space<vmem>>
    %dma_start3A_31 = tpu.memref_squeeze %dma_start3A_30 : memref<1x8x1024xf32, #tpu.memory_space<vmem>> -> memref<8x1024xf32, #tpu.memory_space<vmem>>
    %dma_start3A_32 = arith.constant 0 : i32
    %dma_start3A_33 = tpu.memref_slice %arg3[%add3A_8, %dma_start3A_32] : memref<8192x1024xf32, #tpu.memory_space<hbm>> -> memref<8x1024xf32, #tpu.memory_space<hbm>>
    tpu.enqueue_dma source(%dma_start3A_33 : memref<8x1024xf32, #tpu.memory_space<hbm>>) target(%dma_start3A_31 : memref<8x1024xf32, #tpu.memory_space<vmem>>) target_semaphore(%arg12 : memref<!tpu.dma_semaphore, #tpu.memory_space<semaphore_mem>>)
    %dma_start3A_34 = arith.constant 0 : i32
    %dma_start3A_35 = arith.constant 0 : i32
    %dma_start3A_36 = arith.constant 0 : i32
    %dma_start3A_37 = tpu.memref_slice %arg9[%dma_start3A_34, %dma_start3A_35, %dma_start3A_36] : memref<2x8x1024xf32, #tpu.memory_space<vmem>> -> memref<1x8x1024xf32, #tpu.memory_space<vmem>>
    %dma_start3A_38 = tpu.memref_squeeze %dma_start3A_37 : memref<1x8x1024xf32, #tpu.memory_space<vmem>> -> memref<8x1024xf32, #tpu.memory_space<vmem>>
    %dma_start3A_39 = arith.constant 0 : i32
    %dma_start3A_40 = tpu.memref_slice %arg4[%add3A_8, %dma_start3A_39] : memref<8192x1024xf32, #tpu.memory_space<hbm>> -> memref<8x1024xf32, #tpu.memory_space<hbm>>
    %dma_start3A_41 = arith.constant 0 : i32
    %dma_start3A_42 = arith.constant 0 : i32
    %dma_start3A_43 = tpu.memref_slice %arg9[%dma_start3A_34, %dma_start3A_41, %dma_start3A_42] : memref<2x8x1024xf32, #tpu.memory_space<vmem>> -> memref<1x8x1024xf32, #tpu.memory_space<vmem>>
    %dma_start3A_44 = tpu.memref_squeeze %dma_start3A_43 : memref<1x8x1024xf32, #tpu.memory_space<vmem>> -> memref<8x1024xf32, #tpu.memory_space<vmem>>
    %dma_start3A_45 = arith.constant 0 : i32
    %dma_start3A_46 = tpu.memref_slice %arg4[%add3A_8, %dma_start3A_45] : memref<8192x1024xf32, #tpu.memory_space<hbm>> -> memref<8x1024xf32, #tpu.memory_space<hbm>>
    tpu.enqueue_dma source(%dma_start3A_46 : memref<8x1024xf32, #tpu.memory_space<hbm>>) target(%dma_start3A_44 : memref<8x1024xf32, #tpu.memory_space<vmem>>) target_semaphore(%arg12 : memref<!tpu.dma_semaphore, #tpu.memory_space<semaphore_mem>>)
    %dma_start3A_47 = arith.constant 0 : i32
    %dma_start3A_48 = arith.constant 0 : i32
    %dma_start3A_49 = arith.constant 0 : i32
    %dma_start3A_50 = tpu.memref_slice %arg10[%dma_start3A_47, %dma_start3A_48, %dma_start3A_49] : memref<2x8x48xf32, #tpu.memory_space<vmem>> -> memref<1x8x48xf32, #tpu.memory_space<vmem>>
    %dma_start3A_51 = tpu.memref_squeeze %dma_start3A_50 : memref<1x8x48xf32, #tpu.memory_space<vmem>> -> memref<8x48xf32, #tpu.memory_space<vmem>>
    %dma_start3A_52 = arith.constant 0 : i32
    %dma_start3A_53 = tpu.memref_slice %arg5[%add3A_8, %dma_start3A_52] : memref<8192x48xf32, #tpu.memory_space<hbm>> -> memref<8x48xf32, #tpu.memory_space<hbm>>
    %dma_start3A_54 = arith.constant 0 : i32
    %dma_start3A_55 = arith.constant 0 : i32
    %dma_start3A_56 = tpu.memref_slice %arg10[%dma_start3A_47, %dma_start3A_54, %dma_start3A_55] : memref<2x8x48xf32, #tpu.memory_space<vmem>> -> memref<1x8x48xf32, #tpu.memory_space<vmem>>
    %dma_start3A_57 = tpu.memref_squeeze %dma_start3A_56 : memref<1x8x48xf32, #tpu.memory_space<vmem>> -> memref<8x48xf32, #tpu.memory_space<vmem>>
    %dma_start3A_58 = arith.constant 0 : i32
    %dma_start3A_59 = tpu.memref_slice %arg5[%add3A_8, %dma_start3A_58] : memref<8192x48xf32, #tpu.memory_space<hbm>> -> memref<8x48xf32, #tpu.memory_space<hbm>>
    tpu.enqueue_dma source(%dma_start3A_59 : memref<8x48xf32, #tpu.memory_space<hbm>>) target(%dma_start3A_57 : memref<8x48xf32, #tpu.memory_space<vmem>>) target_semaphore(%arg12 : memref<!tpu.dma_semaphore, #tpu.memory_space<semaphore_mem>>)
    %add3A_60 = arith.constant 8 : i32
    %add3A_61 = arith.addi %add3A_4, %add3A_60 : i32
    %dma_start3A_62 = arith.constant 1 : i32
    %dma_start3A_63 = arith.constant 0 : i32
    %dma_start3A_64 = arith.constant 0 : i32
    %dma_start3A_65 = tpu.memref_slice %arg7[%dma_start3A_62, %dma_start3A_63, %dma_start3A_64] : memref<2x8x1024xf32, #tpu.memory_space<vmem>> -> memref<1x8x1024xf32, #tpu.memory_space<vmem>>
    %dma_start3A_66 = tpu.memref_squeeze %dma_start3A_65 : memref<1x8x1024xf32, #tpu.memory_space<vmem>> -> memref<8x1024xf32, #tpu.memory_space<vmem>>
    %dma_start3A_67 = arith.constant 0 : i32
    %dma_start3A_68 = tpu.memref_slice %arg2[%add3A_61, %dma_start3A_67] : memref<8192x1024xf32, #tpu.memory_space<hbm>> -> memref<8x1024xf32, #tpu.memory_space<hbm>>
    %dma_start3A_69 = arith.constant 0 : i32
    %dma_start3A_70 = arith.constant 0 : i32
    %dma_start3A_71 = tpu.memref_slice %arg7[%dma_start3A_62, %dma_start3A_69, %dma_start3A_70] : memref<2x8x1024xf32, #tpu.memory_space<vmem>> -> memref<1x8x1024xf32, #tpu.memory_space<vmem>>
    %dma_start3A_72 = tpu.memref_squeeze %dma_start3A_71 : memref<1x8x1024xf32, #tpu.memory_space<vmem>> -> memref<8x1024xf32, #tpu.memory_space<vmem>>
    %dma_start3A_73 = arith.constant 0 : i32
    %dma_start3A_74 = tpu.memref_slice %arg2[%add3A_61, %dma_start3A_73] : memref<8192x1024xf32, #tpu.memory_space<hbm>> -> memref<8x1024xf32, #tpu.memory_space<hbm>>
    tpu.enqueue_dma source(%dma_start3A_74 : memref<8x1024xf32, #tpu.memory_space<hbm>>) target(%dma_start3A_72 : memref<8x1024xf32, #tpu.memory_space<vmem>>) target_semaphore(%arg13 : memref<!tpu.dma_semaphore, #tpu.memory_space<semaphore_mem>>)
    %dma_start3A_75 = arith.constant 1 : i32
    %dma_start3A_76 = arith.constant 0 : i32
    %dma_start3A_77 = arith.constant 0 : i32
    %dma_start3A_78 = tpu.memref_slice %arg8[%dma_start3A_75, %dma_start3A_76, %dma_start3A_77] : memref<2x8x1024xf32, #tpu.memory_space<vmem>> -> memref<1x8x1024xf32, #tpu.memory_space<vmem>>
    %dma_start3A_79 = tpu.memref_squeeze %dma_start3A_78 : memref<1x8x1024xf32, #tpu.memory_space<vmem>> -> memref<8x1024xf32, #tpu.memory_space<vmem>>
    %dma_start3A_80 = arith.constant 0 : i32
    %dma_start3A_81 = tpu.memref_slice %arg3[%add3A_61, %dma_start3A_80] : memref<8192x1024xf32, #tpu.memory_space<hbm>> -> memref<8x1024xf32, #tpu.memory_space<hbm>>
    %dma_start3A_82 = arith.constant 0 : i32
    %dma_start3A_83 = arith.constant 0 : i32
    %dma_start3A_84 = tpu.memref_slice %arg8[%dma_start3A_75, %dma_start3A_82, %dma_start3A_83] : memref<2x8x1024xf32, #tpu.memory_space<vmem>> -> memref<1x8x1024xf32, #tpu.memory_space<vmem>>
    %dma_start3A_85 = tpu.memref_squeeze %dma_start3A_84 : memref<1x8x1024xf32, #tpu.memory_space<vmem>> -> memref<8x1024xf32, #tpu.memory_space<vmem>>
    %dma_start3A_86 = arith.constant 0 : i32
    %dma_start3A_87 = tpu.memref_slice %arg3[%add3A_61, %dma_start3A_86] : memref<8192x1024xf32, #tpu.memory_space<hbm>> -> memref<8x1024xf32, #tpu.memory_space<hbm>>
    tpu.enqueue_dma source(%dma_start3A_87 : memref<8x1024xf32, #tpu.memory_space<hbm>>) target(%dma_start3A_85 : memref<8x1024xf32, #tpu.memory_space<vmem>>) target_semaphore(%arg13 : memref<!tpu.dma_semaphore, #tpu.memory_space<semaphore_mem>>)
    %dma_start3A_88 = arith.constant 1 : i32
    %dma_start3A_89 = arith.constant 0 : i32
    %dma_start3A_90 = arith.constant 0 : i32
    %dma_start3A_91 = tpu.memref_slice %arg9[%dma_start3A_88, %dma_start3A_89, %dma_start3A_90] : memref<2x8x1024xf32, #tpu.memory_space<vmem>> -> memref<1x8x1024xf32, #tpu.memory_space<vmem>>
    %dma_start3A_92 = tpu.memref_squeeze %dma_start3A_91 : memref<1x8x1024xf32, #tpu.memory_space<vmem>> -> memref<8x1024xf32, #tpu.memory_space<vmem>>
    %dma_start3A_93 = arith.constant 0 : i32
    %dma_start3A_94 = tpu.memref_slice %arg4[%add3A_61, %dma_start3A_93] : memref<8192x1024xf32, #tpu.memory_space<hbm>> -> memref<8x1024xf32, #tpu.memory_space<hbm>>
    %dma_start3A_95 = arith.constant 0 : i32
    %dma_start3A_96 = arith.constant 0 : i32
    %dma_start3A_97 = tpu.memref_slice %arg9[%dma_start3A_88, %dma_start3A_95, %dma_start3A_96] : memref<2x8x1024xf32, #tpu.memory_space<vmem>> -> memref<1x8x1024xf32, #tpu.memory_space<vmem>>
    %dma_start3A_98 = tpu.memref_squeeze %dma_start3A_97 : memref<1x8x1024xf32, #tpu.memory_space<vmem>> -> memref<8x1024xf32, #tpu.memory_space<vmem>>
    %dma_start3A_99 = arith.constant 0 : i32
    %dma_start3A_100 = tpu.memref_slice %arg4[%add3A_61, %dma_start3A_99] : memref<8192x1024xf32, #tpu.memory_space<hbm>> -> memref<8x1024xf32, #tpu.memory_space<hbm>>
    tpu.enqueue_dma source(%dma_start3A_100 : memref<8x1024xf32, #tpu.memory_space<hbm>>) target(%dma_start3A_98 : memref<8x1024xf32, #tpu.memory_space<vmem>>) target_semaphore(%arg13 : memref<!tpu.dma_semaphore, #tpu.memory_space<semaphore_mem>>)
    %dma_start3A_101 = arith.constant 1 : i32
    %dma_start3A_102 = arith.constant 0 : i32
    %dma_start3A_103 = arith.constant 0 : i32
    %dma_start3A_104 = tpu.memref_slice %arg10[%dma_start3A_101, %dma_start3A_102, %dma_start3A_103] : memref<2x8x48xf32, #tpu.memory_space<vmem>> -> memref<1x8x48xf32, #tpu.memory_space<vmem>>
    %dma_start3A_105 = tpu.memref_squeeze %dma_start3A_104 : memref<1x8x48xf32, #tpu.memory_space<vmem>> -> memref<8x48xf32, #tpu.memory_space<vmem>>
    %dma_start3A_106 = arith.constant 0 : i32
    %dma_start3A_107 = tpu.memref_slice %arg5[%add3A_61, %dma_start3A_106] : memref<8192x48xf32, #tpu.memory_space<hbm>> -> memref<8x48xf32, #tpu.memory_space<hbm>>
    %dma_start3A_108 = arith.constant 0 : i32
    %dma_start3A_109 = arith.constant 0 : i32
    %dma_start3A_110 = tpu.memref_slice %arg10[%dma_start3A_101, %dma_start3A_108, %dma_start3A_109] : memref<2x8x48xf32, #tpu.memory_space<vmem>> -> memref<1x8x48xf32, #tpu.memory_space<vmem>>
    %dma_start3A_111 = tpu.memref_squeeze %dma_start3A_110 : memref<1x8x48xf32, #tpu.memory_space<vmem>> -> memref<8x48xf32, #tpu.memory_space<vmem>>
    %dma_start3A_112 = arith.constant 0 : i32
    %dma_start3A_113 = tpu.memref_slice %arg5[%add3A_61, %dma_start3A_112] : memref<8192x48xf32, #tpu.memory_space<hbm>> -> memref<8x48xf32, #tpu.memory_space<hbm>>
    tpu.enqueue_dma source(%dma_start3A_113 : memref<8x48xf32, #tpu.memory_space<hbm>>) target(%dma_start3A_111 : memref<8x48xf32, #tpu.memory_space<vmem>>) target_semaphore(%arg13 : memref<!tpu.dma_semaphore, #tpu.memory_space<semaphore_mem>>)
    %scan3A = arith.constant 0 : i32
    %scan3A_114 = arith.constant 0 : i32
    %scan3A_115 = arith.constant 6 : i32
    %scan3A_116 = arith.addi %scan3A_114, %scan3A_115 : i32
    %scan3A_117 = arith.constant 1 : i32
    %scan3A_118 = scf.for %scan3A_149 = %scan3A_114 to %scan3A_116 step %scan3A_117 iter_args(%scan3A_150 = %scan3A) -> (i32)  : i32 {
      %mul3A_151 = arith.constant 2 : i32
      %mul3A_152 = arith.muli %mul3A_151, %scan3A_149 : i32
      %add3A_153 = arith.constant 0 : i32
      %add3A_154 = arith.addi %mul3A_152, %add3A_153 : i32
      %mul3A_155 = arith.constant 8 : i32
      %mul3A_156 = arith.muli %add3A_154, %mul3A_155 : i32
      %add3A_157 = arith.addi %add3A_4, %mul3A_156 : i32
      %dma_wait3A_158 = arith.constant 0 : i32
      %dma_wait3A_159 = arith.constant 0 : i32
      %dma_wait3A_160 = arith.constant 0 : i32
      %dma_wait3A_161 = tpu.memref_slice %arg7[%dma_wait3A_158, %dma_wait3A_159, %dma_wait3A_160] : memref<2x8x1024xf32, #tpu.memory_space<vmem>> -> memref<1x8x1024xf32, #tpu.memory_space<vmem>>
      %dma_wait3A_162 = tpu.memref_squeeze %dma_wait3A_161 : memref<1x8x1024xf32, #tpu.memory_space<vmem>> -> memref<8x1024xf32, #tpu.memory_space<vmem>>
      %dma_wait3A_163 = arith.constant 0 : i32
      %dma_wait3A_164 = tpu.memref_slice %arg2[%add3A_157, %dma_wait3A_163] : memref<8192x1024xf32, #tpu.memory_space<hbm>> -> memref<8x1024xf32, #tpu.memory_space<hbm>>
      %dma_wait3A_165 = arith.constant 0 : i32
      %dma_wait3A_166 = arith.constant 0 : i32
      %dma_wait3A_167 = tpu.memref_slice %arg7[%dma_wait3A_158, %dma_wait3A_165, %dma_wait3A_166] : memref<2x8x1024xf32, #tpu.memory_space<vmem>> -> memref<1x8x1024xf32, #tpu.memory_space<vmem>>
      %dma_wait3A_168 = tpu.memref_squeeze %dma_wait3A_167 : memref<1x8x1024xf32, #tpu.memory_space<vmem>> -> memref<8x1024xf32, #tpu.memory_space<vmem>>
      %dma_wait3A_169 = arith.constant 0 : i32
      %dma_wait3A_170 = tpu.memref_slice %arg2[%add3A_157, %dma_wait3A_169] : memref<8192x1024xf32, #tpu.memory_space<hbm>> -> memref<8x1024xf32, #tpu.memory_space<hbm>>
      tpu.wait_dma2 semaphore(%arg12 : memref<!tpu.dma_semaphore, #tpu.memory_space<semaphore_mem>>) src(%dma_wait3A_170 : memref<8x1024xf32, #tpu.memory_space<hbm>>) dst(%dma_wait3A_168 : memref<8x1024xf32, #tpu.memory_space<vmem>>)
      %dma_wait3A_171 = arith.constant 0 : i32
      %dma_wait3A_172 = arith.constant 0 : i32
      %dma_wait3A_173 = arith.constant 0 : i32
      %dma_wait3A_174 = tpu.memref_slice %arg8[%dma_wait3A_171, %dma_wait3A_172, %dma_wait3A_173] : memref<2x8x1024xf32, #tpu.memory_space<vmem>> -> memref<1x8x1024xf32, #tpu.memory_space<vmem>>
      %dma_wait3A_175 = tpu.memref_squeeze %dma_wait3A_174 : memref<1x8x1024xf32, #tpu.memory_space<vmem>> -> memref<8x1024xf32, #tpu.memory_space<vmem>>
      %dma_wait3A_176 = arith.constant 0 : i32
      %dma_wait3A_177 = tpu.memref_slice %arg3[%add3A_157, %dma_wait3A_176] : memref<8192x1024xf32, #tpu.memory_space<hbm>> -> memref<8x1024xf32, #tpu.memory_space<hbm>>
      %dma_wait3A_178 = arith.constant 0 : i32
      %dma_wait3A_179 = arith.constant 0 : i32
      %dma_wait3A_180 = tpu.memref_slice %arg8[%dma_wait3A_171, %dma_wait3A_178, %dma_wait3A_179] : memref<2x8x1024xf32, #tpu.memory_space<vmem>> -> memref<1x8x1024xf32, #tpu.memory_space<vmem>>
      %dma_wait3A_181 = tpu.memref_squeeze %dma_wait3A_180 : memref<1x8x1024xf32, #tpu.memory_space<vmem>> -> memref<8x1024xf32, #tpu.memory_space<vmem>>
      %dma_wait3A_182 = arith.constant 0 : i32
      %dma_wait3A_183 = tpu.memref_slice %arg3[%add3A_157, %dma_wait3A_182] : memref<8192x1024xf32, #tpu.memory_space<hbm>> -> memref<8x1024xf32, #tpu.memory_space<hbm>>
      tpu.wait_dma2 semaphore(%arg12 : memref<!tpu.dma_semaphore, #tpu.memory_space<semaphore_mem>>) src(%dma_wait3A_183 : memref<8x1024xf32, #tpu.memory_space<hbm>>) dst(%dma_wait3A_181 : memref<8x1024xf32, #tpu.memory_space<vmem>>)
      %dma_wait3A_184 = arith.constant 0 : i32
      %dma_wait3A_185 = arith.constant 0 : i32
      %dma_wait3A_186 = arith.constant 0 : i32
      %dma_wait3A_187 = tpu.memref_slice %arg9[%dma_wait3A_184, %dma_wait3A_185, %dma_wait3A_186] : memref<2x8x1024xf32, #tpu.memory_space<vmem>> -> memref<1x8x1024xf32, #tpu.memory_space<vmem>>
      %dma_wait3A_188 = tpu.memref_squeeze %dma_wait3A_187 : memref<1x8x1024xf32, #tpu.memory_space<vmem>> -> memref<8x1024xf32, #tpu.memory_space<vmem>>
      %dma_wait3A_189 = arith.constant 0 : i32
      %dma_wait3A_190 = tpu.memref_slice %arg4[%add3A_157, %dma_wait3A_189] : memref<8192x1024xf32, #tpu.memory_space<hbm>> -> memref<8x1024xf32, #tpu.memory_space<hbm>>
      %dma_wait3A_191 = arith.constant 0 : i32
      %dma_wait3A_192 = arith.constant 0 : i32
      %dma_wait3A_193 = tpu.memref_slice %arg9[%dma_wait3A_184, %dma_wait3A_191, %dma_wait3A_192] : memref<2x8x1024xf32, #tpu.memory_space<vmem>> -> memref<1x8x1024xf32, #tpu.memory_space<vmem>>
      %dma_wait3A_194 = tpu.memref_squeeze %dma_wait3A_193 : memref<1x8x1024xf32, #tpu.memory_space<vmem>> -> memref<8x1024xf32, #tpu.memory_space<vmem>>
      %dma_wait3A_195 = arith.constant 0 : i32
      %dma_wait3A_196 = tpu.memref_slice %arg4[%add3A_157, %dma_wait3A_195] : memref<8192x1024xf32, #tpu.memory_space<hbm>> -> memref<8x1024xf32, #tpu.memory_space<hbm>>
      tpu.wait_dma2 semaphore(%arg12 : memref<!tpu.dma_semaphore, #tpu.memory_space<semaphore_mem>>) src(%dma_wait3A_196 : memref<8x1024xf32, #tpu.memory_space<hbm>>) dst(%dma_wait3A_194 : memref<8x1024xf32, #tpu.memory_space<vmem>>)
      %dma_wait3A_197 = arith.constant 0 : i32
      %dma_wait3A_198 = arith.constant 0 : i32
      %dma_wait3A_199 = arith.constant 0 : i32
      %dma_wait3A_200 = tpu.memref_slice %arg10[%dma_wait3A_197, %dma_wait3A_198, %dma_wait3A_199] : memref<2x8x48xf32, #tpu.memory_space<vmem>> -> memref<1x8x48xf32, #tpu.memory_space<vmem>>
      %dma_wait3A_201 = tpu.memref_squeeze %dma_wait3A_200 : memref<1x8x48xf32, #tpu.memory_space<vmem>> -> memref<8x48xf32, #tpu.memory_space<vmem>>
      %dma_wait3A_202 = arith.constant 0 : i32
      %dma_wait3A_203 = tpu.memref_slice %arg5[%add3A_157, %dma_wait3A_202] : memref<8192x48xf32, #tpu.memory_space<hbm>> -> memref<8x48xf32, #tpu.memory_space<hbm>>
      %dma_wait3A_204 = arith.constant 0 : i32
      %dma_wait3A_205 = arith.constant 0 : i32
      %dma_wait3A_206 = tpu.memref_slice %arg10[%dma_wait3A_197, %dma_wait3A_204, %dma_wait3A_205] : memref<2x8x48xf32, #tpu.memory_space<vmem>> -> memref<1x8x48xf32, #tpu.memory_space<vmem>>
      %dma_wait3A_207 = tpu.memref_squeeze %dma_wait3A_206 : memref<1x8x48xf32, #tpu.memory_space<vmem>> -> memref<8x48xf32, #tpu.memory_space<vmem>>
      %dma_wait3A_208 = arith.constant 0 : i32
      %dma_wait3A_209 = tpu.memref_slice %arg5[%add3A_157, %dma_wait3A_208] : memref<8192x48xf32, #tpu.memory_space<hbm>> -> memref<8x48xf32, #tpu.memory_space<hbm>>
      tpu.wait_dma2 semaphore(%arg12 : memref<!tpu.dma_semaphore, #tpu.memory_space<semaphore_mem>>) src(%dma_wait3A_209 : memref<8x48xf32, #tpu.memory_space<hbm>>) dst(%dma_wait3A_207 : memref<8x48xf32, #tpu.memory_space<vmem>>)
      %gt3A = arith.constant 0 : i32
      %gt3A_210 = arith.cmpi sgt, %scan3A_149, %gt3A : i32
      %convert_element_type3A = arith.extui %gt3A_210 : i1 to i32
      %cond3A = arith.constant 0 : i32
      %cond3A_211 = arith.cmpi ne, %convert_element_type3A, %cond3A : i32
      scf.if %cond3A_211 {
        %sub3A = arith.constant 2 : i32
        %sub3A_332 = arith.subi %add3A_154, %sub3A : i32
        %mul3A_333 = arith.constant 8 : i32
        %mul3A_334 = arith.muli %sub3A_332, %mul3A_333 : i32
        %add3A_335 = arith.addi %mul3A_6, %mul3A_334 : i32
        %dma_wait3A_336 = arith.constant 0 : i32
        %dma_wait3A_337 = arith.constant 0 : i32
        %dma_wait3A_338 = arith.constant 0 : i32
        %dma_wait3A_339 = tpu.memref_slice %arg11[%dma_wait3A_336, %dma_wait3A_337, %dma_wait3A_338] : memref<2x8x1024xf32, #tpu.memory_space<vmem>> -> memref<1x8x1024xf32, #tpu.memory_space<vmem>>
        %dma_wait3A_340 = tpu.memref_squeeze %dma_wait3A_339 : memref<1x8x1024xf32, #tpu.memory_space<vmem>> -> memref<8x1024xf32, #tpu.memory_space<vmem>>
        %dma_wait3A_341 = arith.constant 0 : i32
        %dma_wait3A_342 = tpu.memref_slice %arg6[%add3A_335, %dma_wait3A_341] : memref<3072x1024xf32, #tpu.memory_space<hbm>> -> memref<8x1024xf32, #tpu.memory_space<hbm>>
        %dma_wait3A_343 = arith.constant 0 : i32
        %dma_wait3A_344 = tpu.memref_slice %arg6[%add3A_335, %dma_wait3A_343] : memref<3072x1024xf32, #tpu.memory_space<hbm>> -> memref<8x1024xf32, #tpu.memory_space<hbm>>
        %dma_wait3A_345 = arith.constant 0 : i32
        %dma_wait3A_346 = arith.constant 0 : i32
        %dma_wait3A_347 = tpu.memref_slice %arg11[%dma_wait3A_336, %dma_wait3A_345, %dma_wait3A_346] : memref<2x8x1024xf32, #tpu.memory_space<vmem>> -> memref<1x8x1024xf32, #tpu.memory_space<vmem>>
        %dma_wait3A_348 = tpu.memref_squeeze %dma_wait3A_347 : memref<1x8x1024xf32, #tpu.memory_space<vmem>> -> memref<8x1024xf32, #tpu.memory_space<vmem>>
        tpu.wait_dma2 semaphore(%arg14 : memref<!tpu.dma_semaphore, #tpu.memory_space<semaphore_mem>>) src(%dma_wait3A_348 : memref<8x1024xf32, #tpu.memory_space<vmem>>) dst(%dma_wait3A_344 : memref<8x1024xf32, #tpu.memory_space<hbm>>)
      } else {
      }
      %scan3A_212 = arith.constant 0 : i32
      %scan3A_213 = arith.constant 0 : i32
      %scan3A_214 = arith.constant 8 : i32
      %scan3A_215 = arith.addi %scan3A_213, %scan3A_214 : i32
      %scan3A_216 = arith.constant 1 : i32
      %scan3A_217 = scf.for %scan3A_332 = %scan3A_213 to %scan3A_215 step %scan3A_216 iter_args(%scan3A_333 = %scan3A_212) -> (i32)  : i32 {
        %get3A = arith.constant 0 : i32
        %get3A_334 = arith.index_cast %get3A : i32 to index
        %get3A_335 = arith.index_cast %scan3A_332 : i32 to index
        %get3A_336 = arith.constant 0 : index
        %get3A_337 = tpu.vector_load %arg10[%get3A_334, %get3A_335, %get3A_336] {strides = array<i32>} : memref<2x8x48xf32, #tpu.memory_space<vmem>>, vector<1x1x16xf32>,
        %get3A_338 = vector.shape_cast %get3A_337 : vector<1x1x16xf32> to vector<16xf32>
        %get3A_339 = arith.constant 0 : i32
        %get3A_340 = arith.index_cast %get3A_339 : i32 to index
        %get3A_341 = arith.index_cast %scan3A_332 : i32 to index
        %get3A_342 = arith.constant 16 : index
        %get3A_343 = tpu.vector_load %arg10[%get3A_340, %get3A_341, %get3A_342] {strides = array<i32>} : memref<2x8x48xf32, #tpu.memory_space<vmem>>, vector<1x1x16xf32>,
        %get3A_344 = vector.shape_cast %get3A_343 : vector<1x1x16xf32> to vector<16xf32>
        %get3A_345 = arith.constant 0 : i32
        %get3A_346 = arith.index_cast %get3A_345 : i32 to index
        %get3A_347 = arith.index_cast %scan3A_332 : i32 to index
        %get3A_348 = arith.constant 32 : index
        %get3A_349 = tpu.vector_load %arg10[%get3A_346, %get3A_347, %get3A_348] {strides = array<i32>} : memref<2x8x48xf32, #tpu.memory_space<vmem>>, vector<1x1x16xf32>,
        %get3A_350 = vector.shape_cast %get3A_349 : vector<1x1x16xf32> to vector<16xf32>
        %parallel_loop3A = arith.constant 0 : i32
        %parallel_loop3A_351 = arith.constant 1024 : i32
        %parallel_loop3A_352 = arith.constant 16 : i32
        %parallel_loop3A_353:3 = scf.for %parallel_loop3A_355 = %parallel_loop3A to %parallel_loop3A_351 step %parallel_loop3A_352 iter_args(%parallel_loop3A_356 = %get3A_338, %parallel_loop3A_357 = %get3A_344, %parallel_loop3A_358 = %get3A_350) -> (vector<16xf32>, vector<16xf32>, vector<16xf32>)  : i32 {
          %parallel_loop3A_359 = arith.constant 0 : i32
          %parallel_loop3A_360 = arith.index_cast %parallel_loop3A_359 : i32 to index
          %parallel_loop3A_361 = arith.index_cast %scan3A_332 : i32 to index
          %parallel_loop3A_362 = arith.index_cast %parallel_loop3A_355 : i32 to index
          %parallel_loop3A_363 = tpu.vector_load %arg7[%parallel_loop3A_360, %parallel_loop3A_361, %parallel_loop3A_362] {strides = array<i32>} : memref<2x8x1024xf32, #tpu.memory_space<vmem>>, vector<1x1x16xf32>,
          %parallel_loop3A_364 = vector.shape_cast %parallel_loop3A_363 : vector<1x1x16xf32> to vector<16xf32>
          %parallel_loop3A_365 = arith.mulf %parallel_loop3A_356, %parallel_loop3A_364 : vector<16xf32>
          %parallel_loop3A_366 = arith.constant 0 : i32
          %parallel_loop3A_367 = arith.index_cast %parallel_loop3A_366 : i32 to index
          %parallel_loop3A_368 = arith.index_cast %scan3A_332 : i32 to index
          %parallel_loop3A_369 = arith.index_cast %parallel_loop3A_355 : i32 to index
          %parallel_loop3A_370 = tpu.vector_load %arg8[%parallel_loop3A_367, %parallel_loop3A_368, %parallel_loop3A_369] {strides = array<i32>} : memref<2x8x1024xf32, #tpu.memory_space<vmem>>, vector<1x1x16xf32>,
          %parallel_loop3A_371 = vector.shape_cast %parallel_loop3A_370 : vector<1x1x16xf32> to vector<16xf32>
          %parallel_loop3A_372 = arith.mulf %parallel_loop3A_357, %parallel_loop3A_371 : vector<16xf32>
          %parallel_loop3A_373 = arith.addf %parallel_loop3A_365, %parallel_loop3A_372 : vector<16xf32>
          %parallel_loop3A_374 = arith.constant 0 : i32
          %parallel_loop3A_375 = arith.index_cast %parallel_loop3A_374 : i32 to index
          %parallel_loop3A_376 = arith.index_cast %scan3A_332 : i32 to index
          %parallel_loop3A_377 = arith.index_cast %parallel_loop3A_355 : i32 to index
          %parallel_loop3A_378 = tpu.vector_load %arg9[%parallel_loop3A_375, %parallel_loop3A_376, %parallel_loop3A_377] {strides = array<i32>} : memref<2x8x1024xf32, #tpu.memory_space<vmem>>, vector<1x1x16xf32>,
          %parallel_loop3A_379 = vector.shape_cast %parallel_loop3A_378 : vector<1x1x16xf32> to vector<16xf32>
          %parallel_loop3A_380 = arith.mulf %parallel_loop3A_358, %parallel_loop3A_379 : vector<16xf32>
          %parallel_loop3A_381 = arith.addf %parallel_loop3A_373, %parallel_loop3A_380 : vector<16xf32>
          %parallel_loop3A_382 = arith.constant 0 : i32
          %parallel_loop3A_383 = arith.index_cast %parallel_loop3A_382 : i32 to index
          %parallel_loop3A_384 = arith.index_cast %scan3A_332 : i32 to index
          %parallel_loop3A_385 = arith.index_cast %parallel_loop3A_355 : i32 to index
          %parallel_loop3A_386 = tpu.vector_load %arg11[%parallel_loop3A_383, %parallel_loop3A_384, %parallel_loop3A_385] {strides = array<i32>} : memref<2x8x1024xf32, #tpu.memory_space<vmem>>, vector<1x1x16xf32>,
          %parallel_loop3A_387 = vector.shape_cast %parallel_loop3A_386 : vector<1x1x16xf32> to vector<16xf32>
          %parallel_loop3A_388 = vector.shape_cast %parallel_loop3A_381 : vector<16xf32> to vector<1x1x16xf32>
          tpu.vector_store %arg11[%parallel_loop3A_383, %parallel_loop3A_384, %parallel_loop3A_385], %parallel_loop3A_388 {strides = array<i32>} : memref<2x8x1024xf32, #tpu.memory_space<vmem>>, vector<1x1x16xf32>,
          scf.yield %parallel_loop3A_356, %parallel_loop3A_357, %parallel_loop3A_358 : vector<16xf32>, vector<16xf32>, vector<16xf32>
        } {sc.loop_unroll_factor = 8 : i64, sc.parallel_access}
        %scan3A_354 = arith.constant 0 : i32
        scf.yield %scan3A_354 : i32
      }
      %scan3A_218 = arith.constant 8 : i32
      %mul3A_219 = arith.constant 8 : i32
      %mul3A_220 = arith.muli %add3A_154, %mul3A_219 : i32
      %add3A_221 = arith.addi %mul3A_6, %mul3A_220 : i32
      %dma_start3A_222 = arith.constant 0 : i32
      %dma_start3A_223 = arith.constant 0 : i32
      %dma_start3A_224 = arith.constant 0 : i32
      %dma_start3A_225 = tpu.memref_slice %arg11[%dma_start3A_222, %dma_start3A_223, %dma_start3A_224] : memref<2x8x1024xf32, #tpu.memory_space<vmem>> -> memref<1x8x1024xf32, #tpu.memory_space<vmem>>
      %dma_start3A_226 = tpu.memref_squeeze %dma_start3A_225 : memref<1x8x1024xf32, #tpu.memory_space<vmem>> -> memref<8x1024xf32, #tpu.memory_space<vmem>>
      %dma_start3A_227 = arith.constant 0 : i32
      %dma_start3A_228 = tpu.memref_slice %arg6[%add3A_221, %dma_start3A_227] : memref<3072x1024xf32, #tpu.memory_space<hbm>> -> memref<8x1024xf32, #tpu.memory_space<hbm>>
      %dma_start3A_229 = arith.constant 0 : i32
      %dma_start3A_230 = tpu.memref_slice %arg6[%add3A_221, %dma_start3A_229] : memref<3072x1024xf32, #tpu.memory_space<hbm>> -> memref<8x1024xf32, #tpu.memory_space<hbm>>
      %dma_start3A_231 = arith.constant 0 : i32
      %dma_start3A_232 = arith.constant 0 : i32
      %dma_start3A_233 = tpu.memref_slice %arg11[%dma_start3A_222, %dma_start3A_231, %dma_start3A_232] : memref<2x8x1024xf32, #tpu.memory_space<vmem>> -> memref<1x8x1024xf32, #tpu.memory_space<vmem>>
      %dma_start3A_234 = tpu.memref_squeeze %dma_start3A_233 : memref<1x8x1024xf32, #tpu.memory_space<vmem>> -> memref<8x1024xf32, #tpu.memory_space<vmem>>
      tpu.enqueue_dma source(%dma_start3A_234 : memref<8x1024xf32, #tpu.memory_space<vmem>>) target(%dma_start3A_230 : memref<8x1024xf32, #tpu.memory_space<hbm>>) target_semaphore(%arg14 : memref<!tpu.dma_semaphore, #tpu.memory_space<semaphore_mem>>)
      %lt3A = arith.constant 5 : i32
      %lt3A_235 = arith.cmpi slt, %scan3A_149, %lt3A : i32
      %convert_element_type3A_236 = arith.extui %lt3A_235 : i1 to i32
      %cond3A_237 = arith.constant 0 : i32
      %cond3A_238 = arith.cmpi ne, %convert_element_type3A_236, %cond3A_237 : i32
      scf.if %cond3A_238 {
        %add3A_332 = arith.constant 2 : i32
        %add3A_333 = arith.addi %add3A_154, %add3A_332 : i32
        %mul3A_334 = arith.constant 8 : i32
        %mul3A_335 = arith.muli %add3A_333, %mul3A_334 : i32
        %add3A_336 = arith.addi %add3A_4, %mul3A_335 : i32
        %dma_start3A_337 = arith.constant 0 : i32
        %dma_start3A_338 = arith.constant 0 : i32
        %dma_start3A_339 = arith.constant 0 : i32
        %dma_start3A_340 = tpu.memref_slice %arg7[%dma_start3A_337, %dma_start3A_338, %dma_start3A_339] : memref<2x8x1024xf32, #tpu.memory_space<vmem>> -> memref<1x8x1024xf32, #tpu.memory_space<vmem>>
        %dma_start3A_341 = tpu.memref_squeeze %dma_start3A_340 : memref<1x8x1024xf32, #tpu.memory_space<vmem>> -> memref<8x1024xf32, #tpu.memory_space<vmem>>
        %dma_start3A_342 = arith.constant 0 : i32
        %dma_start3A_343 = tpu.memref_slice %arg2[%add3A_336, %dma_start3A_342] : memref<8192x1024xf32, #tpu.memory_space<hbm>> -> memref<8x1024xf32, #tpu.memory_space<hbm>>
        %dma_start3A_344 = arith.constant 0 : i32
        %dma_start3A_345 = arith.constant 0 : i32
        %dma_start3A_346 = tpu.memref_slice %arg7[%dma_start3A_337, %dma_start3A_344, %dma_start3A_345] : memref<2x8x1024xf32, #tpu.memory_space<vmem>> -> memref<1x8x1024xf32, #tpu.memory_space<vmem>>
        %dma_start3A_347 = tpu.memref_squeeze %dma_start3A_346 : memref<1x8x1024xf32, #tpu.memory_space<vmem>> -> memref<8x1024xf32, #tpu.memory_space<vmem>>
        %dma_start3A_348 = arith.constant 0 : i32
        %dma_start3A_349 = tpu.memref_slice %arg2[%add3A_336, %dma_start3A_348] : memref<8192x1024xf32, #tpu.memory_space<hbm>> -> memref<8x1024xf32, #tpu.memory_space<hbm>>
        tpu.enqueue_dma source(%dma_start3A_349 : memref<8x1024xf32, #tpu.memory_space<hbm>>) target(%dma_start3A_347 : memref<8x1024xf32, #tpu.memory_space<vmem>>) target_semaphore(%arg12 : memref<!tpu.dma_semaphore, #tpu.memory_space<semaphore_mem>>)
        %dma_start3A_350 = arith.constant 0 : i32
        %dma_start3A_351 = arith.constant 0 : i32
        %dma_start3A_352 = arith.constant 0 : i32
        %dma_start3A_353 = tpu.memref_slice %arg8[%dma_start3A_350, %dma_start3A_351, %dma_start3A_352] : memref<2x8x1024xf32, #tpu.memory_space<vmem>> -> memref<1x8x1024xf32, #tpu.memory_space<vmem>>
        %dma_start3A_354 = tpu.memref_squeeze %dma_start3A_353 : memref<1x8x1024xf32, #tpu.memory_space<vmem>> -> memref<8x1024xf32, #tpu.memory_space<vmem>>
        %dma_start3A_355 = arith.constant 0 : i32
        %dma_start3A_356 = tpu.memref_slice %arg3[%add3A_336, %dma_start3A_355] : memref<8192x1024xf32, #tpu.memory_space<hbm>> -> memref<8x1024xf32, #tpu.memory_space<hbm>>
        %dma_start3A_357 = arith.constant 0 : i32
        %dma_start3A_358 = arith.constant 0 : i32
        %dma_start3A_359 = tpu.memref_slice %arg8[%dma_start3A_350, %dma_start3A_357, %dma_start3A_358] : memref<2x8x1024xf32, #tpu.memory_space<vmem>> -> memref<1x8x1024xf32, #tpu.memory_space<vmem>>
        %dma_start3A_360 = tpu.memref_squeeze %dma_start3A_359 : memref<1x8x1024xf32, #tpu.memory_space<vmem>> -> memref<8x1024xf32, #tpu.memory_space<vmem>>
        %dma_start3A_361 = arith.constant 0 : i32
        %dma_start3A_362 = tpu.memref_slice %arg3[%add3A_336, %dma_start3A_361] : memref<8192x1024xf32, #tpu.memory_space<hbm>> -> memref<8x1024xf32, #tpu.memory_space<hbm>>
        tpu.enqueue_dma source(%dma_start3A_362 : memref<8x1024xf32, #tpu.memory_space<hbm>>) target(%dma_start3A_360 : memref<8x1024xf32, #tpu.memory_space<vmem>>) target_semaphore(%arg12 : memref<!tpu.dma_semaphore, #tpu.memory_space<semaphore_mem>>)
        %dma_start3A_363 = arith.constant 0 : i32
        %dma_start3A_364 = arith.constant 0 : i32
        %dma_start3A_365 = arith.constant 0 : i32
        %dma_start3A_366 = tpu.memref_slice %arg9[%dma_start3A_363, %dma_start3A_364, %dma_start3A_365] : memref<2x8x1024xf32, #tpu.memory_space<vmem>> -> memref<1x8x1024xf32, #tpu.memory_space<vmem>>
        %dma_start3A_367 = tpu.memref_squeeze %dma_start3A_366 : memref<1x8x1024xf32, #tpu.memory_space<vmem>> -> memref<8x1024xf32, #tpu.memory_space<vmem>>
        %dma_start3A_368 = arith.constant 0 : i32
        %dma_start3A_369 = tpu.memref_slice %arg4[%add3A_336, %dma_start3A_368] : memref<8192x1024xf32, #tpu.memory_space<hbm>> -> memref<8x1024xf32, #tpu.memory_space<hbm>>
        %dma_start3A_370 = arith.constant 0 : i32
        %dma_start3A_371 = arith.constant 0 : i32
        %dma_start3A_372 = tpu.memref_slice %arg9[%dma_start3A_363, %dma_start3A_370, %dma_start3A_371] : memref<2x8x1024xf32, #tpu.memory_space<vmem>> -> memref<1x8x1024xf32, #tpu.memory_space<vmem>>
        %dma_start3A_373 = tpu.memref_squeeze %dma_start3A_372 : memref<1x8x1024xf32, #tpu.memory_space<vmem>> -> memref<8x1024xf32, #tpu.memory_space<vmem>>
        %dma_start3A_374 = arith.constant 0 : i32
        %dma_start3A_375 = tpu.memref_slice %arg4[%add3A_336, %dma_start3A_374] : memref<8192x1024xf32, #tpu.memory_space<hbm>> -> memref<8x1024xf32, #tpu.memory_space<hbm>>
        tpu.enqueue_dma source(%dma_start3A_375 : memref<8x1024xf32, #tpu.memory_space<hbm>>) target(%dma_start3A_373 : memref<8x1024xf32, #tpu.memory_space<vmem>>) target_semaphore(%arg12 : memref<!tpu.dma_semaphore, #tpu.memory_space<semaphore_mem>>)
        %dma_start3A_376 = arith.constant 0 : i32
        %dma_start3A_377 = arith.constant 0 : i32
        %dma_start3A_378 = arith.constant 0 : i32
        %dma_start3A_379 = tpu.memref_slice %arg10[%dma_start3A_376, %dma_start3A_377, %dma_start3A_378] : memref<2x8x48xf32, #tpu.memory_space<vmem>> -> memref<1x8x48xf32, #tpu.memory_space<vmem>>
        %dma_start3A_380 = tpu.memref_squeeze %dma_start3A_379 : memref<1x8x48xf32, #tpu.memory_space<vmem>> -> memref<8x48xf32, #tpu.memory_space<vmem>>
        %dma_start3A_381 = arith.constant 0 : i32
        %dma_start3A_382 = tpu.memref_slice %arg5[%add3A_336, %dma_start3A_381] : memref<8192x48xf32, #tpu.memory_space<hbm>> -> memref<8x48xf32, #tpu.memory_space<hbm>>
        %dma_start3A_383 = arith.constant 0 : i32
        %dma_start3A_384 = arith.constant 0 : i32
        %dma_start3A_385 = tpu.memref_slice %arg10[%dma_start3A_376, %dma_start3A_383, %dma_start3A_384] : memref<2x8x48xf32, #tpu.memory_space<vmem>> -> memref<1x8x48xf32, #tpu.memory_space<vmem>>
        %dma_start3A_386 = tpu.memref_squeeze %dma_start3A_385 : memref<1x8x48xf32, #tpu.memory_space<vmem>> -> memref<8x48xf32, #tpu.memory_space<vmem>>
        %dma_start3A_387 = arith.constant 0 : i32
        %dma_start3A_388 = tpu.memref_slice %arg5[%add3A_336, %dma_start3A_387] : memref<8192x48xf32, #tpu.memory_space<hbm>> -> memref<8x48xf32, #tpu.memory_space<hbm>>
        tpu.enqueue_dma source(%dma_start3A_388 : memref<8x48xf32, #tpu.memory_space<hbm>>) target(%dma_start3A_386 : memref<8x48xf32, #tpu.memory_space<vmem>>) target_semaphore(%arg12 : memref<!tpu.dma_semaphore, #tpu.memory_space<semaphore_mem>>)
      } else {
      }
      %mul3A_239 = arith.constant 2 : i32
      %mul3A_240 = arith.muli %mul3A_239, %scan3A_149 : i32
      %add3A_241 = arith.constant 1 : i32
      %add3A_242 = arith.addi %mul3A_240, %add3A_241 : i32
      %mul3A_243 = arith.constant 8 : i32
      %mul3A_244 = arith.muli %add3A_242, %mul3A_243 : i32
      %add3A_245 = arith.addi %add3A_4, %mul3A_244 : i32
      %dma_wait3A_246 = arith.constant 1 : i32
      %dma_wait3A_247 = arith.constant 0 : i32
      %dma_wait3A_248 = arith.constant 0 : i32
      %dma_wait3A_249 = tpu.memref_slice %arg7[%dma_wait3A_246, %dma_wait3A_247, %dma_wait3A_248] : memref<2x8x1024xf32, #tpu.memory_space<vmem>> -> memref<1x8x1024xf32, #tpu.memory_space<vmem>>
      %dma_wait3A_250 = tpu.memref_squeeze %dma_wait3A_249 : memref<1x8x1024xf32, #tpu.memory_space<vmem>> -> memref<8x1024xf32, #tpu.memory_space<vmem>>
      %dma_wait3A_251 = arith.constant 0 : i32
      %dma_wait3A_252 = tpu.memref_slice %arg2[%add3A_245, %dma_wait3A_251] : memref<8192x1024xf32, #tpu.memory_space<hbm>> -> memref<8x1024xf32, #tpu.memory_space<hbm>>
      %dma_wait3A_253 = arith.constant 0 : i32
      %dma_wait3A_254 = arith.constant 0 : i32
      %dma_wait3A_255 = tpu.memref_slice %arg7[%dma_wait3A_246, %dma_wait3A_253, %dma_wait3A_254] : memref<2x8x1024xf32, #tpu.memory_space<vmem>> -> memref<1x8x1024xf32, #tpu.memory_space<vmem>>
      %dma_wait3A_256 = tpu.memref_squeeze %dma_wait3A_255 : memref<1x8x1024xf32, #tpu.memory_space<vmem>> -> memref<8x1024xf32, #tpu.memory_space<vmem>>
      %dma_wait3A_257 = arith.constant 0 : i32
      %dma_wait3A_258 = tpu.memref_slice %arg2[%add3A_245, %dma_wait3A_257] : memref<8192x1024xf32, #tpu.memory_space<hbm>> -> memref<8x1024xf32, #tpu.memory_space<hbm>>
      tpu.wait_dma2 semaphore(%arg13 : memref<!tpu.dma_semaphore, #tpu.memory_space<semaphore_mem>>) src(%dma_wait3A_258 : memref<8x1024xf32, #tpu.memory_space<hbm>>) dst(%dma_wait3A_256 : memref<8x1024xf32, #tpu.memory_space<vmem>>)
      %dma_wait3A_259 = arith.constant 1 : i32
      %dma_wait3A_260 = arith.constant 0 : i32
      %dma_wait3A_261 = arith.constant 0 : i32
      %dma_wait3A_262 = tpu.memref_slice %arg8[%dma_wait3A_259, %dma_wait3A_260, %dma_wait3A_261] : memref<2x8x1024xf32, #tpu.memory_space<vmem>> -> memref<1x8x1024xf32, #tpu.memory_space<vmem>>
      %dma_wait3A_263 = tpu.memref_squeeze %dma_wait3A_262 : memref<1x8x1024xf32, #tpu.memory_space<vmem>> -> memref<8x1024xf32, #tpu.memory_space<vmem>>
      %dma_wait3A_264 = arith.constant 0 : i32
      %dma_wait3A_265 = tpu.memref_slice %arg3[%add3A_245, %dma_wait3A_264] : memref<8192x1024xf32, #tpu.memory_space<hbm>> -> memref<8x1024xf32, #tpu.memory_space<hbm>>
      %dma_wait3A_266 = arith.constant 0 : i32
      %dma_wait3A_267 = arith.constant 0 : i32
      %dma_wait3A_268 = tpu.memref_slice %arg8[%dma_wait3A_259, %dma_wait3A_266, %dma_wait3A_267] : memref<2x8x1024xf32, #tpu.memory_space<vmem>> -> memref<1x8x1024xf32, #tpu.memory_space<vmem>>
      %dma_wait3A_269 = tpu.memref_squeeze %dma_wait3A_268 : memref<1x8x1024xf32, #tpu.memory_space<vmem>> -> memref<8x1024xf32, #tpu.memory_space<vmem>>
      %dma_wait3A_270 = arith.constant 0 : i32
      %dma_wait3A_271 = tpu.memref_slice %arg3[%add3A_245, %dma_wait3A_270] : memref<8192x1024xf32, #tpu.memory_space<hbm>> -> memref<8x1024xf32, #tpu.memory_space<hbm>>
      tpu.wait_dma2 semaphore(%arg13 : memref<!tpu.dma_semaphore, #tpu.memory_space<semaphore_mem>>) src(%dma_wait3A_271 : memref<8x1024xf32, #tpu.memory_space<hbm>>) dst(%dma_wait3A_269 : memref<8x1024xf32, #tpu.memory_space<vmem>>)
      %dma_wait3A_272 = arith.constant 1 : i32
      %dma_wait3A_273 = arith.constant 0 : i32
      %dma_wait3A_274 = arith.constant 0 : i32
      %dma_wait3A_275 = tpu.memref_slice %arg9[%dma_wait3A_272, %dma_wait3A_273, %dma_wait3A_274] : memref<2x8x1024xf32, #tpu.memory_space<vmem>> -> memref<1x8x1024xf32, #tpu.memory_space<vmem>>
      %dma_wait3A_276 = tpu.memref_squeeze %dma_wait3A_275 : memref<1x8x1024xf32, #tpu.memory_space<vmem>> -> memref<8x1024xf32, #tpu.memory_space<vmem>>
      %dma_wait3A_277 = arith.constant 0 : i32
      %dma_wait3A_278 = tpu.memref_slice %arg4[%add3A_245, %dma_wait3A_277] : memref<8192x1024xf32, #tpu.memory_space<hbm>> -> memref<8x1024xf32, #tpu.memory_space<hbm>>
      %dma_wait3A_279 = arith.constant 0 : i32
      %dma_wait3A_280 = arith.constant 0 : i32
      %dma_wait3A_281 = tpu.memref_slice %arg9[%dma_wait3A_272, %dma_wait3A_279, %dma_wait3A_280] : memref<2x8x1024xf32, #tpu.memory_space<vmem>> -> memref<1x8x1024xf32, #tpu.memory_space<vmem>>
      %dma_wait3A_282 = tpu.memref_squeeze %dma_wait3A_281 : memref<1x8x1024xf32, #tpu.memory_space<vmem>> -> memref<8x1024xf32, #tpu.memory_space<vmem>>
      %dma_wait3A_283 = arith.constant 0 : i32
      %dma_wait3A_284 = tpu.memref_slice %arg4[%add3A_245, %dma_wait3A_283] : memref<8192x1024xf32, #tpu.memory_space<hbm>> -> memref<8x1024xf32, #tpu.memory_space<hbm>>
      tpu.wait_dma2 semaphore(%arg13 : memref<!tpu.dma_semaphore, #tpu.memory_space<semaphore_mem>>) src(%dma_wait3A_284 : memref<8x1024xf32, #tpu.memory_space<hbm>>) dst(%dma_wait3A_282 : memref<8x1024xf32, #tpu.memory_space<vmem>>)
      %dma_wait3A_285 = arith.constant 1 : i32
      %dma_wait3A_286 = arith.constant 0 : i32
      %dma_wait3A_287 = arith.constant 0 : i32
      %dma_wait3A_288 = tpu.memref_slice %arg10[%dma_wait3A_285, %dma_wait3A_286, %dma_wait3A_287] : memref<2x8x48xf32, #tpu.memory_space<vmem>> -> memref<1x8x48xf32, #tpu.memory_space<vmem>>
      %dma_wait3A_289 = tpu.memref_squeeze %dma_wait3A_288 : memref<1x8x48xf32, #tpu.memory_space<vmem>> -> memref<8x48xf32, #tpu.memory_space<vmem>>
      %dma_wait3A_290 = arith.constant 0 : i32
      %dma_wait3A_291 = tpu.memref_slice %arg5[%add3A_245, %dma_wait3A_290] : memref<8192x48xf32, #tpu.memory_space<hbm>> -> memref<8x48xf32, #tpu.memory_space<hbm>>
      %dma_wait3A_292 = arith.constant 0 : i32
      %dma_wait3A_293 = arith.constant 0 : i32
      %dma_wait3A_294 = tpu.memref_slice %arg10[%dma_wait3A_285, %dma_wait3A_292, %dma_wait3A_293] : memref<2x8x48xf32, #tpu.memory_space<vmem>> -> memref<1x8x48xf32, #tpu.memory_space<vmem>>
      %dma_wait3A_295 = tpu.memref_squeeze %dma_wait3A_294 : memref<1x8x48xf32, #tpu.memory_space<vmem>> -> memref<8x48xf32, #tpu.memory_space<vmem>>
      %dma_wait3A_296 = arith.constant 0 : i32
      %dma_wait3A_297 = tpu.memref_slice %arg5[%add3A_245, %dma_wait3A_296] : memref<8192x48xf32, #tpu.memory_space<hbm>> -> memref<8x48xf32, #tpu.memory_space<hbm>>
      tpu.wait_dma2 semaphore(%arg13 : memref<!tpu.dma_semaphore, #tpu.memory_space<semaphore_mem>>) src(%dma_wait3A_297 : memref<8x48xf32, #tpu.memory_space<hbm>>) dst(%dma_wait3A_295 : memref<8x48xf32, #tpu.memory_space<vmem>>)
      %gt3A_298 = arith.constant 0 : i32
      %gt3A_299 = arith.cmpi sgt, %scan3A_149, %gt3A_298 : i32
      %convert_element_type3A_300 = arith.extui %gt3A_299 : i1 to i32
      %cond3A_301 = arith.constant 0 : i32
      %cond3A_302 = arith.cmpi ne, %convert_element_type3A_300, %cond3A_301 : i32
      scf.if %cond3A_302 {
        %sub3A = arith.constant 2 : i32
        %sub3A_332 = arith.subi %add3A_242, %sub3A : i32
        %mul3A_333 = arith.constant 8 : i32
        %mul3A_334 = arith.muli %sub3A_332, %mul3A_333 : i32
        %add3A_335 = arith.addi %mul3A_6, %mul3A_334 : i32
        %dma_wait3A_336 = arith.constant 1 : i32
        %dma_wait3A_337 = arith.constant 0 : i32
        %dma_wait3A_338 = arith.constant 0 : i32
        %dma_wait3A_339 = tpu.memref_slice %arg11[%dma_wait3A_336, %dma_wait3A_337, %dma_wait3A_338] : memref<2x8x1024xf32, #tpu.memory_space<vmem>> -> memref<1x8x1024xf32, #tpu.memory_space<vmem>>
        %dma_wait3A_340 = tpu.memref_squeeze %dma_wait3A_339 : memref<1x8x1024xf32, #tpu.memory_space<vmem>> -> memref<8x1024xf32, #tpu.memory_space<vmem>>
        %dma_wait3A_341 = arith.constant 0 : i32
        %dma_wait3A_342 = tpu.memref_slice %arg6[%add3A_335, %dma_wait3A_341] : memref<3072x1024xf32, #tpu.memory_space<hbm>> -> memref<8x1024xf32, #tpu.memory_space<hbm>>
        %dma_wait3A_343 = arith.constant 0 : i32
        %dma_wait3A_344 = tpu.memref_slice %arg6[%add3A_335, %dma_wait3A_343] : memref<3072x1024xf32, #tpu.memory_space<hbm>> -> memref<8x1024xf32, #tpu.memory_space<hbm>>
        %dma_wait3A_345 = arith.constant 0 : i32
        %dma_wait3A_346 = arith.constant 0 : i32
        %dma_wait3A_347 = tpu.memref_slice %arg11[%dma_wait3A_336, %dma_wait3A_345, %dma_wait3A_346] : memref<2x8x1024xf32, #tpu.memory_space<vmem>> -> memref<1x8x1024xf32, #tpu.memory_space<vmem>>
        %dma_wait3A_348 = tpu.memref_squeeze %dma_wait3A_347 : memref<1x8x1024xf32, #tpu.memory_space<vmem>> -> memref<8x1024xf32, #tpu.memory_space<vmem>>
        tpu.wait_dma2 semaphore(%arg15 : memref<!tpu.dma_semaphore, #tpu.memory_space<semaphore_mem>>) src(%dma_wait3A_348 : memref<8x1024xf32, #tpu.memory_space<vmem>>) dst(%dma_wait3A_344 : memref<8x1024xf32, #tpu.memory_space<hbm>>)
      } else {
      }
      %scan3A_303 = arith.constant 0 : i32
      %scan3A_304 = arith.constant 0 : i32
      %scan3A_305 = arith.constant 8 : i32
      %scan3A_306 = arith.addi %scan3A_304, %scan3A_305 : i32
      %scan3A_307 = arith.constant 1 : i32
      %scan3A_308 = scf.for %scan3A_332 = %scan3A_304 to %scan3A_306 step %scan3A_307 iter_args(%scan3A_333 = %scan3A_303) -> (i32)  : i32 {
        %get3A = arith.constant 1 : i32
        %get3A_334 = arith.index_cast %get3A : i32 to index
        %get3A_335 = arith.index_cast %scan3A_332 : i32 to index
        %get3A_336 = arith.constant 0 : index
        %get3A_337 = tpu.vector_load %arg10[%get3A_334, %get3A_335, %get3A_336] {strides = array<i32>} : memref<2x8x48xf32, #tpu.memory_space<vmem>>, vector<1x1x16xf32>,
        %get3A_338 = vector.shape_cast %get3A_337 : vector<1x1x16xf32> to vector<16xf32>
        %get3A_339 = arith.constant 1 : i32
        %get3A_340 = arith.index_cast %get3A_339 : i32 to index
        %get3A_341 = arith.index_cast %scan3A_332 : i32 to index
        %get3A_342 = arith.constant 16 : index
        %get3A_343 = tpu.vector_load %arg10[%get3A_340, %get3A_341, %get3A_342] {strides = array<i32>} : memref<2x8x48xf32, #tpu.memory_space<vmem>>, vector<1x1x16xf32>,
        %get3A_344 = vector.shape_cast %get3A_343 : vector<1x1x16xf32> to vector<16xf32>
        %get3A_345 = arith.constant 1 : i32
        %get3A_346 = arith.index_cast %get3A_345 : i32 to index
        %get3A_347 = arith.index_cast %scan3A_332 : i32 to index
        %get3A_348 = arith.constant 32 : index
        %get3A_349 = tpu.vector_load %arg10[%get3A_346, %get3A_347, %get3A_348] {strides = array<i32>} : memref<2x8x48xf32, #tpu.memory_space<vmem>>, vector<1x1x16xf32>,
        %get3A_350 = vector.shape_cast %get3A_349 : vector<1x1x16xf32> to vector<16xf32>
        %parallel_loop3A = arith.constant 0 : i32
        %parallel_loop3A_351 = arith.constant 1024 : i32
        %parallel_loop3A_352 = arith.constant 16 : i32
        %parallel_loop3A_353:3 = scf.for %parallel_loop3A_355 = %parallel_loop3A to %parallel_loop3A_351 step %parallel_loop3A_352 iter_args(%parallel_loop3A_356 = %get3A_338, %parallel_loop3A_357 = %get3A_344, %parallel_loop3A_358 = %get3A_350) -> (vector<16xf32>, vector<16xf32>, vector<16xf32>)  : i32 {
          %parallel_loop3A_359 = arith.constant 1 : i32
          %parallel_loop3A_360 = arith.index_cast %parallel_loop3A_359 : i32 to index
          %parallel_loop3A_361 = arith.index_cast %scan3A_332 : i32 to index
          %parallel_loop3A_362 = arith.index_cast %parallel_loop3A_355 : i32 to index
          %parallel_loop3A_363 = tpu.vector_load %arg7[%parallel_loop3A_360, %parallel_loop3A_361, %parallel_loop3A_362] {strides = array<i32>} : memref<2x8x1024xf32, #tpu.memory_space<vmem>>, vector<1x1x16xf32>,
          %parallel_loop3A_364 = vector.shape_cast %parallel_loop3A_363 : vector<1x1x16xf32> to vector<16xf32>
          %parallel_loop3A_365 = arith.mulf %parallel_loop3A_356, %parallel_loop3A_364 : vector<16xf32>
          %parallel_loop3A_366 = arith.constant 1 : i32
          %parallel_loop3A_367 = arith.index_cast %parallel_loop3A_366 : i32 to index
          %parallel_loop3A_368 = arith.index_cast %scan3A_332 : i32 to index
          %parallel_loop3A_369 = arith.index_cast %parallel_loop3A_355 : i32 to index
          %parallel_loop3A_370 = tpu.vector_load %arg8[%parallel_loop3A_367, %parallel_loop3A_368, %parallel_loop3A_369] {strides = array<i32>} : memref<2x8x1024xf32, #tpu.memory_space<vmem>>, vector<1x1x16xf32>,
          %parallel_loop3A_371 = vector.shape_cast %parallel_loop3A_370 : vector<1x1x16xf32> to vector<16xf32>
          %parallel_loop3A_372 = arith.mulf %parallel_loop3A_357, %parallel_loop3A_371 : vector<16xf32>
          %parallel_loop3A_373 = arith.addf %parallel_loop3A_365, %parallel_loop3A_372 : vector<16xf32>
          %parallel_loop3A_374 = arith.constant 1 : i32
          %parallel_loop3A_375 = arith.index_cast %parallel_loop3A_374 : i32 to index
          %parallel_loop3A_376 = arith.index_cast %scan3A_332 : i32 to index
          %parallel_loop3A_377 = arith.index_cast %parallel_loop3A_355 : i32 to index
          %parallel_loop3A_378 = tpu.vector_load %arg9[%parallel_loop3A_375, %parallel_loop3A_376, %parallel_loop3A_377] {strides = array<i32>} : memref<2x8x1024xf32, #tpu.memory_space<vmem>>, vector<1x1x16xf32>,
          %parallel_loop3A_379 = vector.shape_cast %parallel_loop3A_378 : vector<1x1x16xf32> to vector<16xf32>
          %parallel_loop3A_380 = arith.mulf %parallel_loop3A_358, %parallel_loop3A_379 : vector<16xf32>
          %parallel_loop3A_381 = arith.addf %parallel_loop3A_373, %parallel_loop3A_380 : vector<16xf32>
          %parallel_loop3A_382 = arith.constant 1 : i32
          %parallel_loop3A_383 = arith.index_cast %parallel_loop3A_382 : i32 to index
          %parallel_loop3A_384 = arith.index_cast %scan3A_332 : i32 to index
          %parallel_loop3A_385 = arith.index_cast %parallel_loop3A_355 : i32 to index
          %parallel_loop3A_386 = tpu.vector_load %arg11[%parallel_loop3A_383, %parallel_loop3A_384, %parallel_loop3A_385] {strides = array<i32>} : memref<2x8x1024xf32, #tpu.memory_space<vmem>>, vector<1x1x16xf32>,
          %parallel_loop3A_387 = vector.shape_cast %parallel_loop3A_386 : vector<1x1x16xf32> to vector<16xf32>
          %parallel_loop3A_388 = vector.shape_cast %parallel_loop3A_381 : vector<16xf32> to vector<1x1x16xf32>
          tpu.vector_store %arg11[%parallel_loop3A_383, %parallel_loop3A_384, %parallel_loop3A_385], %parallel_loop3A_388 {strides = array<i32>} : memref<2x8x1024xf32, #tpu.memory_space<vmem>>, vector<1x1x16xf32>,
          scf.yield %parallel_loop3A_356, %parallel_loop3A_357, %parallel_loop3A_358 : vector<16xf32>, vector<16xf32>, vector<16xf32>
        } {sc.loop_unroll_factor = 8 : i64, sc.parallel_access}
        %scan3A_354 = arith.constant 0 : i32
        scf.yield %scan3A_354 : i32
      }
      %scan3A_309 = arith.constant 8 : i32
      %mul3A_310 = arith.constant 8 : i32
      %mul3A_311 = arith.muli %add3A_242, %mul3A_310 : i32
      %add3A_312 = arith.addi %mul3A_6, %mul3A_311 : i32
      %dma_start3A_313 = arith.constant 1 : i32
      %dma_start3A_314 = arith.constant 0 : i32
      %dma_start3A_315 = arith.constant 0 : i32
      %dma_start3A_316 = tpu.memref_slice %arg11[%dma_start3A_313, %dma_start3A_314, %dma_start3A_315] : memref<2x8x1024xf32, #tpu.memory_space<vmem>> -> memref<1x8x1024xf32, #tpu.memory_space<vmem>>
      %dma_start3A_317 = tpu.memref_squeeze %dma_start3A_316 : memref<1x8x1024xf32, #tpu.memory_space<vmem>> -> memref<8x1024xf32, #tpu.memory_space<vmem>>
      %dma_start3A_318 = arith.constant 0 : i32
      %dma_start3A_319 = tpu.memref_slice %arg6[%add3A_312, %dma_start3A_318] : memref<3072x1024xf32, #tpu.memory_space<hbm>> -> memref<8x1024xf32, #tpu.memory_space<hbm>>
      %dma_start3A_320 = arith.constant 0 : i32
      %dma_start3A_321 = tpu.memref_slice %arg6[%add3A_312, %dma_start3A_320] : memref<3072x1024xf32, #tpu.memory_space<hbm>> -> memref<8x1024xf32, #tpu.memory_space<hbm>>
      %dma_start3A_322 = arith.constant 0 : i32
      %dma_start3A_323 = arith.constant 0 : i32
      %dma_start3A_324 = tpu.memref_slice %arg11[%dma_start3A_313, %dma_start3A_322, %dma_start3A_323] : memref<2x8x1024xf32, #tpu.memory_space<vmem>> -> memref<1x8x1024xf32, #tpu.memory_space<vmem>>
      %dma_start3A_325 = tpu.memref_squeeze %dma_start3A_324 : memref<1x8x1024xf32, #tpu.memory_space<vmem>> -> memref<8x1024xf32, #tpu.memory_space<vmem>>
      tpu.enqueue_dma source(%dma_start3A_325 : memref<8x1024xf32, #tpu.memory_space<vmem>>) target(%dma_start3A_321 : memref<8x1024xf32, #tpu.memory_space<hbm>>) target_semaphore(%arg15 : memref<!tpu.dma_semaphore, #tpu.memory_space<semaphore_mem>>)
      %lt3A_326 = arith.constant 5 : i32
      %lt3A_327 = arith.cmpi slt, %scan3A_149, %lt3A_326 : i32
      %convert_element_type3A_328 = arith.extui %lt3A_327 : i1 to i32
      %cond3A_329 = arith.constant 0 : i32
      %cond3A_330 = arith.cmpi ne, %convert_element_type3A_328, %cond3A_329 : i32
      scf.if %cond3A_330 {
        %add3A_332 = arith.constant 2 : i32
        %add3A_333 = arith.addi %add3A_242, %add3A_332 : i32
        %mul3A_334 = arith.constant 8 : i32
        %mul3A_335 = arith.muli %add3A_333, %mul3A_334 : i32
        %add3A_336 = arith.addi %add3A_4, %mul3A_335 : i32
        %dma_start3A_337 = arith.constant 1 : i32
        %dma_start3A_338 = arith.constant 0 : i32
        %dma_start3A_339 = arith.constant 0 : i32
        %dma_start3A_340 = tpu.memref_slice %arg7[%dma_start3A_337, %dma_start3A_338, %dma_start3A_339] : memref<2x8x1024xf32, #tpu.memory_space<vmem>> -> memref<1x8x1024xf32, #tpu.memory_space<vmem>>
        %dma_start3A_341 = tpu.memref_squeeze %dma_start3A_340 : memref<1x8x1024xf32, #tpu.memory_space<vmem>> -> memref<8x1024xf32, #tpu.memory_space<vmem>>
        %dma_start3A_342 = arith.constant 0 : i32
        %dma_start3A_343 = tpu.memref_slice %arg2[%add3A_336, %dma_start3A_342] : memref<8192x1024xf32, #tpu.memory_space<hbm>> -> memref<8x1024xf32, #tpu.memory_space<hbm>>
        %dma_start3A_344 = arith.constant 0 : i32
        %dma_start3A_345 = arith.constant 0 : i32
        %dma_start3A_346 = tpu.memref_slice %arg7[%dma_start3A_337, %dma_start3A_344, %dma_start3A_345] : memref<2x8x1024xf32, #tpu.memory_space<vmem>> -> memref<1x8x1024xf32, #tpu.memory_space<vmem>>
        %dma_start3A_347 = tpu.memref_squeeze %dma_start3A_346 : memref<1x8x1024xf32, #tpu.memory_space<vmem>> -> memref<8x1024xf32, #tpu.memory_space<vmem>>
        %dma_start3A_348 = arith.constant 0 : i32
        %dma_start3A_349 = tpu.memref_slice %arg2[%add3A_336, %dma_start3A_348] : memref<8192x1024xf32, #tpu.memory_space<hbm>> -> memref<8x1024xf32, #tpu.memory_space<hbm>>
        tpu.enqueue_dma source(%dma_start3A_349 : memref<8x1024xf32, #tpu.memory_space<hbm>>) target(%dma_start3A_347 : memref<8x1024xf32, #tpu.memory_space<vmem>>) target_semaphore(%arg13 : memref<!tpu.dma_semaphore, #tpu.memory_space<semaphore_mem>>)
        %dma_start3A_350 = arith.constant 1 : i32
        %dma_start3A_351 = arith.constant 0 : i32
        %dma_start3A_352 = arith.constant 0 : i32
        %dma_start3A_353 = tpu.memref_slice %arg8[%dma_start3A_350, %dma_start3A_351, %dma_start3A_352] : memref<2x8x1024xf32, #tpu.memory_space<vmem>> -> memref<1x8x1024xf32, #tpu.memory_space<vmem>>
        %dma_start3A_354 = tpu.memref_squeeze %dma_start3A_353 : memref<1x8x1024xf32, #tpu.memory_space<vmem>> -> memref<8x1024xf32, #tpu.memory_space<vmem>>
        %dma_start3A_355 = arith.constant 0 : i32
        %dma_start3A_356 = tpu.memref_slice %arg3[%add3A_336, %dma_start3A_355] : memref<8192x1024xf32, #tpu.memory_space<hbm>> -> memref<8x1024xf32, #tpu.memory_space<hbm>>
        %dma_start3A_357 = arith.constant 0 : i32
        %dma_start3A_358 = arith.constant 0 : i32
        %dma_start3A_359 = tpu.memref_slice %arg8[%dma_start3A_350, %dma_start3A_357, %dma_start3A_358] : memref<2x8x1024xf32, #tpu.memory_space<vmem>> -> memref<1x8x1024xf32, #tpu.memory_space<vmem>>
        %dma_start3A_360 = tpu.memref_squeeze %dma_start3A_359 : memref<1x8x1024xf32, #tpu.memory_space<vmem>> -> memref<8x1024xf32, #tpu.memory_space<vmem>>
        %dma_start3A_361 = arith.constant 0 : i32
        %dma_start3A_362 = tpu.memref_slice %arg3[%add3A_336, %dma_start3A_361] : memref<8192x1024xf32, #tpu.memory_space<hbm>> -> memref<8x1024xf32, #tpu.memory_space<hbm>>
        tpu.enqueue_dma source(%dma_start3A_362 : memref<8x1024xf32, #tpu.memory_space<hbm>>) target(%dma_start3A_360 : memref<8x1024xf32, #tpu.memory_space<vmem>>) target_semaphore(%arg13 : memref<!tpu.dma_semaphore, #tpu.memory_space<semaphore_mem>>)
        %dma_start3A_363 = arith.constant 1 : i32
        %dma_start3A_364 = arith.constant 0 : i32
        %dma_start3A_365 = arith.constant 0 : i32
        %dma_start3A_366 = tpu.memref_slice %arg9[%dma_start3A_363, %dma_start3A_364, %dma_start3A_365] : memref<2x8x1024xf32, #tpu.memory_space<vmem>> -> memref<1x8x1024xf32, #tpu.memory_space<vmem>>
        %dma_start3A_367 = tpu.memref_squeeze %dma_start3A_366 : memref<1x8x1024xf32, #tpu.memory_space<vmem>> -> memref<8x1024xf32, #tpu.memory_space<vmem>>
        %dma_start3A_368 = arith.constant 0 : i32
        %dma_start3A_369 = tpu.memref_slice %arg4[%add3A_336, %dma_start3A_368] : memref<8192x1024xf32, #tpu.memory_space<hbm>> -> memref<8x1024xf32, #tpu.memory_space<hbm>>
        %dma_start3A_370 = arith.constant 0 : i32
        %dma_start3A_371 = arith.constant 0 : i32
        %dma_start3A_372 = tpu.memref_slice %arg9[%dma_start3A_363, %dma_start3A_370, %dma_start3A_371] : memref<2x8x1024xf32, #tpu.memory_space<vmem>> -> memref<1x8x1024xf32, #tpu.memory_space<vmem>>
        %dma_start3A_373 = tpu.memref_squeeze %dma_start3A_372 : memref<1x8x1024xf32, #tpu.memory_space<vmem>> -> memref<8x1024xf32, #tpu.memory_space<vmem>>
        %dma_start3A_374 = arith.constant 0 : i32
        %dma_start3A_375 = tpu.memref_slice %arg4[%add3A_336, %dma_start3A_374] : memref<8192x1024xf32, #tpu.memory_space<hbm>> -> memref<8x1024xf32, #tpu.memory_space<hbm>>
        tpu.enqueue_dma source(%dma_start3A_375 : memref<8x1024xf32, #tpu.memory_space<hbm>>) target(%dma_start3A_373 : memref<8x1024xf32, #tpu.memory_space<vmem>>) target_semaphore(%arg13 : memref<!tpu.dma_semaphore, #tpu.memory_space<semaphore_mem>>)
        %dma_start3A_376 = arith.constant 1 : i32
        %dma_start3A_377 = arith.constant 0 : i32
        %dma_start3A_378 = arith.constant 0 : i32
        %dma_start3A_379 = tpu.memref_slice %arg10[%dma_start3A_376, %dma_start3A_377, %dma_start3A_378] : memref<2x8x48xf32, #tpu.memory_space<vmem>> -> memref<1x8x48xf32, #tpu.memory_space<vmem>>
        %dma_start3A_380 = tpu.memref_squeeze %dma_start3A_379 : memref<1x8x48xf32, #tpu.memory_space<vmem>> -> memref<8x48xf32, #tpu.memory_space<vmem>>
        %dma_start3A_381 = arith.constant 0 : i32
        %dma_start3A_382 = tpu.memref_slice %arg5[%add3A_336, %dma_start3A_381] : memref<8192x48xf32, #tpu.memory_space<hbm>> -> memref<8x48xf32, #tpu.memory_space<hbm>>
        %dma_start3A_383 = arith.constant 0 : i32
        %dma_start3A_384 = arith.constant 0 : i32
        %dma_start3A_385 = tpu.memref_slice %arg10[%dma_start3A_376, %dma_start3A_383, %dma_start3A_384] : memref<2x8x48xf32, #tpu.memory_space<vmem>> -> memref<1x8x48xf32, #tpu.memory_space<vmem>>
        %dma_start3A_386 = tpu.memref_squeeze %dma_start3A_385 : memref<1x8x48xf32, #tpu.memory_space<vmem>> -> memref<8x48xf32, #tpu.memory_space<vmem>>
        %dma_start3A_387 = arith.constant 0 : i32
        %dma_start3A_388 = tpu.memref_slice %arg5[%add3A_336, %dma_start3A_387] : memref<8192x48xf32, #tpu.memory_space<hbm>> -> memref<8x48xf32, #tpu.memory_space<hbm>>
        tpu.enqueue_dma source(%dma_start3A_388 : memref<8x48xf32, #tpu.memory_space<hbm>>) target(%dma_start3A_386 : memref<8x48xf32, #tpu.memory_space<vmem>>) target_semaphore(%arg13 : memref<!tpu.dma_semaphore, #tpu.memory_space<semaphore_mem>>)
      } else {
      }
      %scan3A_331 = arith.constant 0 : i32
      scf.yield %scan3A_331 : i32
    }
    %scan3A_119 = arith.constant 6 : i32
    %add3A_120 = arith.constant 80 : i32
    %add3A_121 = arith.addi %mul3A_6, %add3A_120 : i32
    %dma_wait3A = arith.constant 0 : i32
    %dma_wait3A_122 = arith.constant 0 : i32
    %dma_wait3A_123 = arith.constant 0 : i32
    %dma_wait3A_124 = tpu.memref_slice %arg11[%dma_wait3A, %dma_wait3A_122, %dma_wait3A_123] : memref<2x8x1024xf32, #tpu.memory_space<vmem>> -> memref<1x8x1024xf32, #tpu.memory_space<vmem>>
    %dma_wait3A_125 = tpu.memref_squeeze %dma_wait3A_124 : memref<1x8x1024xf32, #tpu.memory_space<vmem>> -> memref<8x1024xf32, #tpu.memory_space<vmem>>
    %dma_wait3A_126 = arith.constant 0 : i32
    %dma_wait3A_127 = tpu.memref_slice %arg6[%add3A_121, %dma_wait3A_126] : memref<3072x1024xf32, #tpu.memory_space<hbm>> -> memref<8x1024xf32, #tpu.memory_space<hbm>>
    %dma_wait3A_128 = arith.constant 0 : i32
    %dma_wait3A_129 = tpu.memref_slice %arg6[%add3A_121, %dma_wait3A_128] : memref<3072x1024xf32, #tpu.memory_space<hbm>> -> memref<8x1024xf32, #tpu.memory_space<hbm>>
    %dma_wait3A_130 = arith.constant 0 : i32
    %dma_wait3A_131 = arith.constant 0 : i32
    %dma_wait3A_132 = tpu.memref_slice %arg11[%dma_wait3A, %dma_wait3A_130, %dma_wait3A_131] : memref<2x8x1024xf32, #tpu.memory_space<vmem>> -> memref<1x8x1024xf32, #tpu.memory_space<vmem>>
    %dma_wait3A_133 = tpu.memref_squeeze %dma_wait3A_132 : memref<1x8x1024xf32, #tpu.memory_space<vmem>> -> memref<8x1024xf32, #tpu.memory_space<vmem>>
    tpu.wait_dma2 semaphore(%arg14 : memref<!tpu.dma_semaphore, #tpu.memory_space<semaphore_mem>>) src(%dma_wait3A_133 : memref<8x1024xf32, #tpu.memory_space<vmem>>) dst(%dma_wait3A_129 : memref<8x1024xf32, #tpu.memory_space<hbm>>)
    %add3A_134 = arith.constant 88 : i32
    %add3A_135 = arith.addi %mul3A_6, %add3A_134 : i32
    %dma_wait3A_136 = arith.constant 1 : i32
    %dma_wait3A_137 = arith.constant 0 : i32
    %dma_wait3A_138 = arith.constant 0 : i32
    %dma_wait3A_139 = tpu.memref_slice %arg11[%dma_wait3A_136, %dma_wait3A_137, %dma_wait3A_138] : memref<2x8x1024xf32, #tpu.memory_space<vmem>> -> memref<1x8x1024xf32, #tpu.memory_space<vmem>>
    %dma_wait3A_140 = tpu.memref_squeeze %dma_wait3A_139 : memref<1x8x1024xf32, #tpu.memory_space<vmem>> -> memref<8x1024xf32, #tpu.memory_space<vmem>>
    %dma_wait3A_141 = arith.constant 0 : i32
    %dma_wait3A_142 = tpu.memref_slice %arg6[%add3A_135, %dma_wait3A_141] : memref<3072x1024xf32, #tpu.memory_space<hbm>> -> memref<8x1024xf32, #tpu.memory_space<hbm>>
    %dma_wait3A_143 = arith.constant 0 : i32
    %dma_wait3A_144 = tpu.memref_slice %arg6[%add3A_135, %dma_wait3A_143] : memref<3072x1024xf32, #tpu.memory_space<hbm>> -> memref<8x1024xf32, #tpu.memory_space<hbm>>
    %dma_wait3A_145 = arith.constant 0 : i32
    %dma_wait3A_146 = arith.constant 0 : i32
    %dma_wait3A_147 = tpu.memref_slice %arg11[%dma_wait3A_136, %dma_wait3A_145, %dma_wait3A_146] : memref<2x8x1024xf32, #tpu.memory_space<vmem>> -> memref<1x8x1024xf32, #tpu.memory_space<vmem>>
    %dma_wait3A_148 = tpu.memref_squeeze %dma_wait3A_147 : memref<1x8x1024xf32, #tpu.memory_space<vmem>> -> memref<8x1024xf32, #tpu.memory_space<vmem>>
    tpu.wait_dma2 semaphore(%arg15 : memref<!tpu.dma_semaphore, #tpu.memory_space<semaphore_mem>>) src(%dma_wait3A_148 : memref<8x1024xf32, #tpu.memory_space<vmem>>) dst(%dma_wait3A_144 : memref<8x1024xf32, #tpu.memory_space<hbm>>)
    return
  }
}

module attributes {stable_mosaic.version = 14 : i64} {
  func.func @_gate_kernel(%arg0: i32, %arg1: memref<512x1024xf32, #tpu.memory_space<vmem>>, %arg2: memref<512x1024xf32, #tpu.memory_space<vmem>>, %arg3: memref<1x1024xf32, #tpu.memory_space<vmem>>, %arg4: memref<1x1024xf32, #tpu.memory_space<vmem>>, %arg5: memref<1024x256xbf16, #tpu.memory_space<vmem>>, %arg6: memref<1024x256xbf16, #tpu.memory_space<vmem>>, %arg7: memref<1x256xf32, #tpu.memory_space<vmem>>, %arg8: memref<256x128xf32, #tpu.memory_space<vmem>>, %arg9: memref<1x128xf32, #tpu.memory_space<vmem>>, %arg10: memref<512x128xf32, #tpu.memory_space<vmem>>, %arg11: memref<512x48xf32, #tpu.memory_space<vmem>>) attributes {dimension_semantics = [#tpu.dimension_semantics<arbitrary>], iteration_bounds = array<i64: 16>, scalar_prefetch = 0 : i64, scratch_operands = 0 : i64, tpu.core_type = #tpu.core_type<tc>, window_params = [{transform_indices = @transform_0, window_bounds = array<i64: 512, 1024>}, {transform_indices = @transform_1, window_bounds = array<i64: 512, 1024>}, {pipeline_mode = #tpu.pipeline_mode<synchronous>, transform_indices = @transform_2, window_bounds = array<i64: 1, 1024>}, {pipeline_mode = #tpu.pipeline_mode<synchronous>, transform_indices = @transform_3, window_bounds = array<i64: 1, 1024>}, {pipeline_mode = #tpu.pipeline_mode<synchronous>, transform_indices = @transform_4, window_bounds = array<i64: 1024, 256>}, {pipeline_mode = #tpu.pipeline_mode<synchronous>, transform_indices = @transform_5, window_bounds = array<i64: 1024, 256>}, {pipeline_mode = #tpu.pipeline_mode<synchronous>, transform_indices = @transform_6, window_bounds = array<i64: 1, 256>}, {pipeline_mode = #tpu.pipeline_mode<synchronous>, transform_indices = @transform_7, window_bounds = array<i64: 256, 128>}, {pipeline_mode = #tpu.pipeline_mode<synchronous>, transform_indices = @transform_8, window_bounds = array<i64: 1, 128>}, {transform_indices = @transform_9, window_bounds = array<i64: 512, 128>}, {transform_indices = @transform_10, window_bounds = array<i64: 512, 48>}]} {
    %get3A = arith.constant 0 : index
    %get3A_0 = arith.constant 0 : index
    %get3A_1 = vector.load %arg1[%get3A, %get3A_0] : memref<512x1024xf32, #tpu.memory_space<vmem>>, vector<512x1024xf32>
    %reduce_sum3A = arith.constant dense<0.000000e+00> : vector<512xf32>
    %reduce_sum3A_2 = vector.multi_reduction <add>, %get3A_1, %reduce_sum3A [1] : vector<512x1024xf32> to vector<512xf32>
    %broadcast_in_dim3A = vector.shape_cast %reduce_sum3A_2 : vector<512xf32> to vector<512x1xf32>
    %div3A = arith.constant 1.024000e+03 : f32
    %div3A_3 = vector.broadcast %div3A : f32 to vector<512x1xf32>
    %div3A_4 = arith.divf %broadcast_in_dim3A, %div3A_3 : vector<512x1xf32>
    %sub3A = vector.broadcast %div3A_4 : vector<512x1xf32> to vector<512x1024xf32>
    %sub3A_5 = arith.subf %get3A_1, %sub3A : vector<512x1024xf32>
    %mul3A = arith.mulf %sub3A_5, %sub3A_5 : vector<512x1024xf32>
    %reduce_sum3A_6 = arith.constant dense<0.000000e+00> : vector<512xf32>
    %reduce_sum3A_7 = vector.multi_reduction <add>, %mul3A, %reduce_sum3A_6 [1] : vector<512x1024xf32> to vector<512xf32>
    %broadcast_in_dim3A_8 = vector.shape_cast %reduce_sum3A_7 : vector<512xf32> to vector<512x1xf32>
    %div3A_9 = arith.constant 1.024000e+03 : f32
    %div3A_10 = vector.broadcast %div3A_9 : f32 to vector<512x1xf32>
    %div3A_11 = arith.divf %broadcast_in_dim3A_8, %div3A_10 : vector<512x1xf32>
    %add3A = arith.constant 9.99999974E-6 : f32
    %add3A_12 = vector.broadcast %add3A : f32 to vector<512x1xf32>
    %add3A_13 = arith.addf %div3A_11, %add3A_12 : vector<512x1xf32>
    %rsqrt3A = math.rsqrt %add3A_13 : vector<512x1xf32>
    %mul3A_14 = vector.broadcast %rsqrt3A : vector<512x1xf32> to vector<512x1024xf32>
    %mul3A_15 = arith.mulf %sub3A_5, %mul3A_14 : vector<512x1024xf32>
    %get3A_16 = arith.constant 0 : index
    %get3A_17 = arith.constant 0 : index
    %get3A_18 = vector.load %arg3[%get3A_16, %get3A_17] : memref<1x1024xf32, #tpu.memory_space<vmem>>, vector<1x1024xf32>
    %mul3A_19 = vector.broadcast %get3A_18 : vector<1x1024xf32> to vector<512x1024xf32>
    %mul3A_20 = arith.mulf %mul3A_15, %mul3A_19 : vector<512x1024xf32>
    %get3A_21 = arith.constant 0 : index
    %get3A_22 = arith.constant 0 : index
    %get3A_23 = vector.load %arg4[%get3A_21, %get3A_22] : memref<1x1024xf32, #tpu.memory_space<vmem>>, vector<1x1024xf32>
    %add3A_24 = vector.broadcast %get3A_23 : vector<1x1024xf32> to vector<512x1024xf32>
    %add3A_25 = arith.addf %mul3A_20, %add3A_24 : vector<512x1024xf32>
    %convert_element_type3A = arith.truncf %add3A_25 : vector<512x1024xf32> to vector<512x1024xbf16>
    %get3A_26 = arith.constant 0 : index
    %get3A_27 = arith.constant 0 : index
    %get3A_28 = vector.load %arg5[%get3A_26, %get3A_27] : memref<1024x256xbf16, #tpu.memory_space<vmem>>, vector<1024x256xbf16>
    %dot_general3A = arith.constant dense<0.000000e+00> : vector<512x256xf32>
    %dot_general3A_29 = tpu.matmul %convert_element_type3A, %get3A_28, %dot_general3A {dimension_numbers = #tpu.dot_dimension_numbers<[1], [0], [0], [1], [0, 0, 1, 1], [], []>, transpose_lhs_hint = false} : vector<512x1024xbf16>, vector<1024x256xbf16>, vector<512x256xf32> -> vector<512x256xf32>
    %get3A_30 = arith.constant 0 : index
    %get3A_31 = arith.constant 0 : index
    %get3A_32 = vector.load %arg2[%get3A_30, %get3A_31] : memref<512x1024xf32, #tpu.memory_space<vmem>>, vector<512x1024xf32>
    %convert_element_type3A_33 = arith.truncf %get3A_32 : vector<512x1024xf32> to vector<512x1024xbf16>
    %get3A_34 = arith.constant 0 : index
    %get3A_35 = arith.constant 0 : index
    %get3A_36 = vector.load %arg6[%get3A_34, %get3A_35] : memref<1024x256xbf16, #tpu.memory_space<vmem>>, vector<1024x256xbf16>
    %dot_general3A_37 = arith.constant dense<0.000000e+00> : vector<512x256xf32>
    %dot_general3A_38 = tpu.matmul %convert_element_type3A_33, %get3A_36, %dot_general3A_37 {dimension_numbers = #tpu.dot_dimension_numbers<[1], [0], [0], [1], [0, 0, 1, 1], [], []>, transpose_lhs_hint = false} : vector<512x1024xbf16>, vector<1024x256xbf16>, vector<512x256xf32> -> vector<512x256xf32>
    %add3A_39 = arith.addf %dot_general3A_29, %dot_general3A_38 : vector<512x256xf32>
    %get3A_40 = arith.constant 0 : index
    %get3A_41 = arith.constant 0 : index
    %get3A_42 = vector.load %arg7[%get3A_40, %get3A_41] : memref<1x256xf32, #tpu.memory_space<vmem>>, vector<1x256xf32>
    %add3A_43 = vector.broadcast %get3A_42 : vector<1x256xf32> to vector<512x256xf32>
    %add3A_44 = arith.addf %add3A_39, %add3A_43 : vector<512x256xf32>
    %mul3A_45 = arith.constant 5.000000e-01 : f32
    %mul3A_46 = vector.broadcast %mul3A_45 : f32 to vector<512x256xf32>
    %mul3A_47 = arith.mulf %mul3A_46, %add3A_44 : vector<512x256xf32>
    %mul3A_48 = arith.constant 0.707106769 : f32
    %mul3A_49 = vector.broadcast %mul3A_48 : f32 to vector<512x256xf32>
    %mul3A_50 = arith.mulf %add3A_44, %mul3A_49 : vector<512x256xf32>
    %erf3A = math.erf %mul3A_50 : vector<512x256xf32>
    %add3A_51 = arith.constant 1.000000e+00 : f32
    %add3A_52 = vector.broadcast %add3A_51 : f32 to vector<512x256xf32>
    %add3A_53 = arith.addf %add3A_52, %erf3A : vector<512x256xf32>
    %mul3A_54 = arith.mulf %mul3A_47, %add3A_53 : vector<512x256xf32>
    %get3A_55 = arith.constant 0 : index
    %get3A_56 = arith.constant 0 : index
    %get3A_57 = vector.load %arg8[%get3A_55, %get3A_56] : memref<256x128xf32, #tpu.memory_space<vmem>>, vector<256x128xf32>
    %dot_general3A_58 = arith.constant dense<0.000000e+00> : vector<512x128xf32>
    %dot_general3A_59 = tpu.matmul %mul3A_54, %get3A_57, %dot_general3A_58 {dimension_numbers = #tpu.dot_dimension_numbers<[1], [0], [0], [1], [0, 0, 1, 1], [], []>, transpose_lhs_hint = false} : vector<512x256xf32>, vector<256x128xf32>, vector<512x128xf32> -> vector<512x128xf32>
    %get3A_60 = arith.constant 0 : index
    %get3A_61 = arith.constant 0 : index
    %get3A_62 = vector.load %arg9[%get3A_60, %get3A_61] : memref<1x128xf32, #tpu.memory_space<vmem>>, vector<1x128xf32>
    %add3A_63 = vector.broadcast %get3A_62 : vector<1x128xf32> to vector<512x128xf32>
    %add3A_64 = arith.addf %dot_general3A_59, %add3A_63 : vector<512x128xf32>
    %reduce_max3A = arith.constant dense<0xFF800000> : vector<512xf32>
    %reduce_max3A_65 = vector.multi_reduction <maximumf>, %add3A_64, %reduce_max3A [1] : vector<512x128xf32> to vector<512xf32>
    %broadcast_in_dim3A_66 = vector.shape_cast %reduce_max3A_65 : vector<512xf32> to vector<512x1xf32>
    %sub3A_67 = vector.broadcast %broadcast_in_dim3A_66 : vector<512x1xf32> to vector<512x128xf32>
    %sub3A_68 = arith.subf %add3A_64, %sub3A_67 : vector<512x128xf32>
    %exp3A = math.exp %sub3A_68 : vector<512x128xf32>
    %reduce_sum3A_69 = arith.constant dense<0.000000e+00> : vector<512xf32>
    %reduce_sum3A_70 = vector.multi_reduction <add>, %exp3A, %reduce_sum3A_69 [1] : vector<512x128xf32> to vector<512xf32>
    %broadcast_in_dim3A_71 = vector.shape_cast %reduce_sum3A_70 : vector<512xf32> to vector<512x1xf32>
    %div3A_72 = vector.broadcast %broadcast_in_dim3A_71 : vector<512x1xf32> to vector<512x128xf32>
    %div3A_73 = arith.divf %exp3A, %div3A_72 : vector<512x128xf32>
    %swap3A = arith.constant 0 : index
    %swap3A_74 = arith.constant 0 : index
    %swap3A_75 = vector.load %arg10[%swap3A, %swap3A_74] : memref<512x128xf32, #tpu.memory_space<vmem>>, vector<512x128xf32>
    tpu.vector_store %arg10[%swap3A, %swap3A_74], %div3A_73 {strides = array<i32>} : memref<512x128xf32, #tpu.memory_space<vmem>>, vector<512x128xf32>,
    %slice3A = vector.extract_strided_slice %div3A_73 {offsets = [0, 0], sizes = [512, 1], strides = [1, 1]} : vector<512x128xf32> to vector<512x1xf32>
    %broadcast_in_dim3A_76 = vector.shape_cast %slice3A : vector<512x1xf32> to vector<512x1xf32>
    %broadcast_in_dim3A_77 = vector.broadcast %broadcast_in_dim3A_76 : vector<512x1xf32> to vector<512x16xf32>
    %slice3A_78 = vector.extract_strided_slice %div3A_73 {offsets = [0, 1], sizes = [512, 1], strides = [1, 1]} : vector<512x128xf32> to vector<512x1xf32>
    %broadcast_in_dim3A_79 = vector.shape_cast %slice3A_78 : vector<512x1xf32> to vector<512x1xf32>
    %broadcast_in_dim3A_80 = vector.broadcast %broadcast_in_dim3A_79 : vector<512x1xf32> to vector<512x16xf32>
    %slice3A_81 = vector.extract_strided_slice %div3A_73 {offsets = [0, 2], sizes = [512, 1], strides = [1, 1]} : vector<512x128xf32> to vector<512x1xf32>
    %broadcast_in_dim3A_82 = vector.shape_cast %slice3A_81 : vector<512x1xf32> to vector<512x1xf32>
    %broadcast_in_dim3A_83 = vector.broadcast %broadcast_in_dim3A_82 : vector<512x1xf32> to vector<512x16xf32>
    %concatenate3A = tpu.concatenate %broadcast_in_dim3A_77, %broadcast_in_dim3A_80, %broadcast_in_dim3A_83 in 1 : vector<512x16xf32>, vector<512x16xf32>, vector<512x16xf32> -> vector<512x48xf32>
    %swap3A_84 = arith.constant 0 : index
    %swap3A_85 = arith.constant 0 : index
    %swap3A_86 = vector.load %arg11[%swap3A_84, %swap3A_85] : memref<512x48xf32, #tpu.memory_space<vmem>>, vector<512x48xf32>
    tpu.vector_store %arg11[%swap3A_84, %swap3A_85], %concatenate3A {strides = array<i32>} : memref<512x48xf32, #tpu.memory_space<vmem>>, vector<512x48xf32>,
    return
  }
  func.func @transform_0(%arg0: i32) -> (i32, i32) {
    %c0_i32 = arith.constant 0 : i32
    %c0_i32_0 = arith.constant 0 : i32
    return %arg0, %c0_i32 : i32, i32
  }
  func.func @transform_1(%arg0: i32) -> (i32, i32) {
    %c0_i32 = arith.constant 0 : i32
    %c0_i32_0 = arith.constant 0 : i32
    return %arg0, %c0_i32 : i32, i32
  }
  func.func @transform_2(%arg0: i32) -> (i32, i32) {
    %c0_i32 = arith.constant 0 : i32
    %c0_i32_0 = arith.constant 0 : i32
    %c0_i32_1 = arith.constant 0 : i32
    return %c0_i32, %c0_i32_0 : i32, i32
  }
  func.func @transform_3(%arg0: i32) -> (i32, i32) {
    %c0_i32 = arith.constant 0 : i32
    %c0_i32_0 = arith.constant 0 : i32
    %c0_i32_1 = arith.constant 0 : i32
    return %c0_i32, %c0_i32_0 : i32, i32
  }
  func.func @transform_4(%arg0: i32) -> (i32, i32) {
    %c0_i32 = arith.constant 0 : i32
    %c0_i32_0 = arith.constant 0 : i32
    %c0_i32_1 = arith.constant 0 : i32
    return %c0_i32, %c0_i32_0 : i32, i32
  }
  func.func @transform_5(%arg0: i32) -> (i32, i32) {
    %c0_i32 = arith.constant 0 : i32
    %c0_i32_0 = arith.constant 0 : i32
    %c0_i32_1 = arith.constant 0 : i32
    return %c0_i32, %c0_i32_0 : i32, i32
  }
  func.func @transform_6(%arg0: i32) -> (i32, i32) {
    %c0_i32 = arith.constant 0 : i32
    %c0_i32_0 = arith.constant 0 : i32
    %c0_i32_1 = arith.constant 0 : i32
    return %c0_i32, %c0_i32_0 : i32, i32
  }
  func.func @transform_7(%arg0: i32) -> (i32, i32) {
    %c0_i32 = arith.constant 0 : i32
    %c0_i32_0 = arith.constant 0 : i32
    %c0_i32_1 = arith.constant 0 : i32
    return %c0_i32, %c0_i32_0 : i32, i32
  }
  func.func @transform_8(%arg0: i32) -> (i32, i32) {
    %c0_i32 = arith.constant 0 : i32
    %c0_i32_0 = arith.constant 0 : i32
    %c0_i32_1 = arith.constant 0 : i32
    return %c0_i32, %c0_i32_0 : i32, i32
  }
  func.func @transform_9(%arg0: i32) -> (i32, i32) {
    %c0_i32 = arith.constant 0 : i32
    %c0_i32_0 = arith.constant 0 : i32
    return %arg0, %c0_i32 : i32, i32
  }
  func.func @transform_10(%arg0: i32) -> (i32, i32) {
    %c0_i32 = arith.constant 0 : i32
    %c0_i32_0 = arith.constant 0 : i32
    return %arg0, %c0_i32 : i32, i32
  }
}

module attributes {stable_mosaic.version = 14 : i64} {
  func.func @_tc_combine_kernel(%arg0: i32, %arg1: memref<512x1024xf32, #tpu.memory_space<vmem>>, %arg2: memref<512x1024xf32, #tpu.memory_space<vmem>>, %arg3: memref<512x1024xf32, #tpu.memory_space<vmem>>, %arg4: memref<512x128xf32, #tpu.memory_space<vmem>>, %arg5: memref<512x1024xf32, #tpu.memory_space<vmem>>) attributes {dimension_semantics = [#tpu.dimension_semantics<arbitrary>], iteration_bounds = array<i64: 10>, scalar_prefetch = 0 : i64, scratch_operands = 0 : i64, tpu.core_type = #tpu.core_type<tc>, window_params = [{transform_indices = @transform_0, window_bounds = array<i64: 512, 1024>}, {transform_indices = @transform_1, window_bounds = array<i64: 512, 1024>}, {transform_indices = @transform_2, window_bounds = array<i64: 512, 1024>}, {transform_indices = @transform_3, window_bounds = array<i64: 512, 128>}, {transform_indices = @transform_4, window_bounds = array<i64: 512, 1024>}]} {
    %get3A = arith.constant 0 : index
    %get3A_0 = arith.constant 0 : index
    %get3A_1 = vector.load %arg4[%get3A, %get3A_0] : memref<512x128xf32, #tpu.memory_space<vmem>>, vector<512x128xf32>
    %slice3A = vector.extract_strided_slice %get3A_1 {offsets = [0, 0], sizes = [512, 1], strides = [1, 1]} : vector<512x128xf32> to vector<512x1xf32>
    %get3A_2 = arith.constant 0 : index
    %get3A_3 = arith.constant 0 : index
    %get3A_4 = vector.load %arg1[%get3A_2, %get3A_3] : memref<512x1024xf32, #tpu.memory_space<vmem>>, vector<512x1024xf32>
    %mul3A = vector.broadcast %slice3A : vector<512x1xf32> to vector<512x1024xf32>
    %mul3A_5 = arith.mulf %mul3A, %get3A_4 : vector<512x1024xf32>
    %slice3A_6 = vector.extract_strided_slice %get3A_1 {offsets = [0, 1], sizes = [512, 1], strides = [1, 1]} : vector<512x128xf32> to vector<512x1xf32>
    %get3A_7 = arith.constant 0 : index
    %get3A_8 = arith.constant 0 : index
    %get3A_9 = vector.load %arg2[%get3A_7, %get3A_8] : memref<512x1024xf32, #tpu.memory_space<vmem>>, vector<512x1024xf32>
    %mul3A_10 = vector.broadcast %slice3A_6 : vector<512x1xf32> to vector<512x1024xf32>
    %mul3A_11 = arith.mulf %mul3A_10, %get3A_9 : vector<512x1024xf32>
    %add3A = arith.addf %mul3A_5, %mul3A_11 : vector<512x1024xf32>
    %slice3A_12 = vector.extract_strided_slice %get3A_1 {offsets = [0, 2], sizes = [512, 1], strides = [1, 1]} : vector<512x128xf32> to vector<512x1xf32>
    %get3A_13 = arith.constant 0 : index
    %get3A_14 = arith.constant 0 : index
    %get3A_15 = vector.load %arg3[%get3A_13, %get3A_14] : memref<512x1024xf32, #tpu.memory_space<vmem>>, vector<512x1024xf32>
    %mul3A_16 = vector.broadcast %slice3A_12 : vector<512x1xf32> to vector<512x1024xf32>
    %mul3A_17 = arith.mulf %mul3A_16, %get3A_15 : vector<512x1024xf32>
    %add3A_18 = arith.addf %add3A, %mul3A_17 : vector<512x1024xf32>
    %swap3A = arith.constant 0 : index
    %swap3A_19 = arith.constant 0 : index
    %swap3A_20 = vector.load %arg5[%swap3A, %swap3A_19] : memref<512x1024xf32, #tpu.memory_space<vmem>>, vector<512x1024xf32>
    tpu.vector_store %arg5[%swap3A, %swap3A_19], %add3A_18 {strides = array<i32>} : memref<512x1024xf32, #tpu.memory_space<vmem>>, vector<512x1024xf32>,
    return
  }
  func.func @transform_0(%arg0: i32) -> (i32, i32) {
    %c0_i32 = arith.constant 0 : i32
    %c0_i32_0 = arith.constant 0 : i32
    return %arg0, %c0_i32 : i32, i32
  }
  func.func @transform_1(%arg0: i32) -> (i32, i32) {
    %c0_i32 = arith.constant 0 : i32
    %c0_i32_0 = arith.constant 0 : i32
    return %arg0, %c0_i32 : i32, i32
  }
  func.func @transform_2(%arg0: i32) -> (i32, i32) {
    %c0_i32 = arith.constant 0 : i32
    %c0_i32_0 = arith.constant 0 : i32
    return %arg0, %c0_i32 : i32, i32
  }
  func.func @transform_3(%arg0: i32) -> (i32, i32) {
    %c0_i32 = arith.constant 0 : i32
    %c0_i32_0 = arith.constant 0 : i32
    return %arg0, %c0_i32 : i32, i32
  }
  func.func @transform_4(%arg0: i32) -> (i32, i32) {
    %c0_i32 = arith.constant 0 : i32
    %c0_i32_0 = arith.constant 0 : i32
    return %arg0, %c0_i32 : i32, i32
  }
}

</mosaic_0001>

<sc_bundles>
// kernel: kernel.5.cloned.1.call-start
scs
__scs_entry_jumppad:
0x0: {  	(pc) =	sbr.rel $0x88, $3  }
0x1: {  	(tag) =	ssettag $0x0;
	lr =	simm.s32 $0x1  }
0x2: {  	[smem:$0x3F96] =	sst lr;
	_ =	strace $0xD0000000  }
0x3: {  	_ = 	snop  }
0x4: {  	_ = 	snop  }
0x5: {  	_ = 	snop  }
0x6: {  	_ = 	snop  }
0x7: {  	_ = 	snop  }
__scs_overlays_trampoline_lowered:
0x8: {  	[smem:$0x3FA5] =	sst s0  }
0x9: {  	[smem:$0x3FA6] =	sst s1  }
0xa: {  	[smem:$0x3FA7] =	sst s2  }
0xb: {  	[smem:$0x3FA8] =	sst s3  }
0xc: {  	[smem:$0x3FA9] =	sst s4  }
0xd: {  	[smem:$0x3FAA] =	sst s5  }
0xe: {  	[smem:$0x3FAB] =	sst s6  }
0xf: {  	[smem:$0x3FAC] =	sst s7  }
0x10: {  	[smem:$0x3FAD] =	sst s8  }
0x11: {  	[smem:$0x3FAE] =	sst s9;
	s0 =	simm.s32 @!p0 $0x0  }
0x12: {  	s1 =	sld [smem:$0x3F94];
	s0 =	simm.s32 @p0 $0x1  }
0x13: {  	[smem:$0x3FAF] =	sst s0;
	s0 =	simm.s32 @!p1 $0x0  }
0x14: {  	s2 =	sld [smem:$0x3F93];
	s0 =	simm.s32 @p1 $0x1  }
0x15: {  	[smem:$0x3FB0] =	sst s0;
	s0 =	simm.s32 @!p2 $0x0  }
0x16: {  	s3 =	sld [smem:$0x3FDB];
	s0 =	simm.s32 @p2 $0x1  }
0x17: {  	s4 =	simm.s32 $0x1BF5;
	[smem:$0x3FB2] =	sst s0  }
0x18: {  	s0 =	sld [smem:$0x3F95];
	_ =	swait.ge [sflag:s4], $0x0  }
0x19: {  	s7 =	sld [smem:$0x3F96]  }
0x1a: {  	s8 =	sadd.s32 $0xFFFFE003, lr  }
0x1b: {  	s9 =	sadd.s32 $0xFFFFFEF7, lr;
	s5 =	simm.s32 $0xFFFFFFFF;
	p2 =	slt.u32 s8, $0xFFFFF086  }
0x1c: {  	p1 =	slt.u32 s9, $0xF7A;
	s5 =	simm.s32 @!p2 $0x0  }
0x1d: {  	s5 =	simm.s32 @p1 $0x1;
	p0 =	seq.s32 s7, s2  }
0x1e: {  	s7 =	smul.u32 @!p0 $0xF7A, s2;
	p2 =	seq.s32 @!p0 s5, $0x0  }
0x1f: {  	s9 =	smul.u32 $0xF7A, s1;
	s8 =	simm.s32 @!p0 $0x1BF5;
	p2 =	por !p2, p0  }
0x20: {  	[sflag:s8] =	ssyncset.s32 @!p0 $0xFFFFF086;
	s6 =	sadd.s32 @!p0 s3, s7;
	s7 =	simm.s32 @!p0 $0x108  }
0x21: {  	s3 =	sadd.s32 s3, s9;
	s6 =	sadd.s32 @!p0 $0x88, s6;
	s7 =	simm.s32 @p2 $0x1082  }
0x22: {  	[simem:s7], [sflag:s8] =	dma.local @!p0 [hbm:s6], $0xF7A  }
0x23: {  	s9 =	sor.u32 $0xD0000000, s2;
	s6 =	simm.s32 $0x108;
	_ =	swait.ge @!p0 [sflag:s8], $0x0  }
0x24: {  	s3 =	sadd.s32 $0x88, s3;
	s6 =	simm.s32 @!p1 $0x1082;
	[sflag:s4] =	ssyncset.s32 $0xFFFFF086  }
0x25: {  	[simem:s6], [sflag:s4] =	dma.local [hbm:s3], $0xF7A  }
0x26: {  	[smem:$0x3F96] =	sst s1;
	(tag) =	ssettag s2;
	_ =	strace s9  }
0x27: {  	s1 =	sld [smem:$0x3FA6]  }
0x28: {  	s2 =	sld [smem:$0x3FA7]  }
0x29: {  	s4 =	sld [smem:$0x3FA9]  }
0x2a: {  	p0 =	seq.s32 s5, $0x0;
	s5 =	sld [smem:$0x3FAA]  }
0x2b: {  	s6 =	sld [smem:$0x3FAB]  }
0x2c: {  	s7 =	sld [smem:$0x3FAC]  }
0x2d: {  	s3 =	simm.s32 $0x108;
	s8 =	sld [smem:$0x3FAD]  }
0x2e: {  	s3 =	simm.s32 @!p0 $0x1082;
	s9 =	sld [smem:$0x3FAE]  }
0x2f: {  	lr =	sadd.s32 s0, s3;
	s0 =	sld [smem:$0x3FA5]  }
0x30: {  	s3 =	sld [smem:$0x3FA8]  }
0x31: {  	[smem:$0x3FB1] =	sst s10  }
0x32: {  	s10 =	sld [smem:$0x3FAF];
	_ =	sdelay $0x3  }
0x33: {  	p0 =	seq.s32 s10, $0x1;
	s10 =	sld [smem:$0x3FB1];
	_ =	sdelay $0x3  }
0x34: {  	[smem:$0x3FB1] =	sst s10  }
0x35: {  	s10 =	sld [smem:$0x3FB0];
	_ =	sdelay $0x3  }
0x36: {  	p1 =	seq.s32 s10, $0x1;
	s10 =	sld [smem:$0x3FB1];
	_ =	sdelay $0x3  }
0x37: {  	[smem:$0x3FB1] =	sst s10  }
0x38: {  	s10 =	sld [smem:$0x3FB2]  }
0x39: {  	_ = 	snop;
	(pc) =	sbr.ind lr, $3  }
0x3a: {  	_ = 	snop  }
0x3b: {  	_ = 	snop  }
0x3c: {  	p2 =	seq.s32 s10, $0x1;
	s10 =	sld [smem:$0x3FB1]  }
0x3d: {  	_ =	shalt  }
0x3e: {  	_ =	shalt  }
0x3f: {  	_ =	shalt  }
0x40: {  	_ =	shalt  }
0x41: {  	_ =	shalt  }
0x42: {  	_ =	shalt  }
0x43: {  	_ =	shalt  }
0x44: {  	_ =	shalt  }
0x45: {  	_ =	shalt  }
0x46: {  	_ =	shalt  }
0x47: {  	_ =	shalt  }
0x48: {  	_ =	shalt  }
0x49: {  	_ =	shalt  }
0x4a: {  	_ =	shalt  }
0x4b: {  	_ =	shalt  }
0x4c: {  	_ =	shalt  }
0x4d: {  	_ =	shalt  }
0x4e: {  	_ =	shalt  }
0x4f: {  	_ =	shalt  }
0x50: {  	_ =	shalt  }
0x51: {  	_ =	shalt  }
0x52: {  	_ =	shalt  }
0x53: {  	_ =	shalt  }
0x54: {  	_ =	shalt  }
0x55: {  	_ =	shalt  }
0x56: {  	_ =	shalt  }
0x57: {  	_ =	shalt  }
0x58: {  	_ =	shalt  }
0x59: {  	_ =	shalt  }
0x5a: {  	_ =	shalt  }
0x5b: {  	_ =	shalt  }
0x5c: {  	_ =	shalt  }
0x5d: {  	_ =	shalt  }
0x5e: {  	_ =	shalt  }
0x5f: {  	_ =	shalt  }
0x60: {  	_ =	shalt  }
0x61: {  	_ =	shalt  }
0x62: {  	_ =	shalt  }
0x63: {  	_ =	shalt  }
0x64: {  	_ =	shalt  }
0x65: {  	_ =	shalt  }
0x66: {  	_ =	shalt  }
0x67: {  	_ =	shalt  }
0x68: {  	_ =	shalt  }
0x69: {  	_ =	shalt  }
0x6a: {  	_ =	shalt  }
0x6b: {  	_ =	shalt  }
0x6c: {  	_ =	shalt  }
0x6d: {  	_ =	shalt  }
0x6e: {  	_ =	shalt  }
0x6f: {  	_ =	shalt  }
0x70: {  	_ =	shalt  }
0x71: {  	_ =	shalt  }
0x72: {  	_ =	shalt  }
0x73: {  	_ =	shalt  }
0x74: {  	_ =	shalt  }
0x75: {  	_ =	shalt  }
0x76: {  	_ =	shalt  }
0x77: {  	_ =	shalt  }
0x78: {  	_ =	shalt  }
0x79: {  	_ =	shalt  }
0x7a: {  	_ =	shalt  }
0x7b: {  	_ =	shalt  }
0x7c: {  	_ =	shalt  }
0x7d: {  	_ =	shalt  }
0x7e: {  	_ =	shalt  }
0x7f: {  	_ =	shalt  }
0x80: {  	_ =	shalt  }
0x81: {  	_ =	shalt  }
0x82: {  	_ =	shalt  }
0x83: {  	_ =	shalt  }
0x84: {  	_ =	shalt  }
0x85: {  	_ =	shalt  }
0x86: {  	_ =	shalt  }
0x87: {  	_ =	shalt  }
.Lfunc_end0:
.L_simem_size_0:
called_computation_lowered:
.L_overlay_start_0:
0x88: {  	s2 =	sld [smem:$0x3FD9]  }
0x89: {  	s3 =	sld [smem:$0x3FFE];
	_ =	sdelay $0x1  }
0x8a: {  	s1 =	srdreg.scid  }
0x8b: {  	s0 =	sand.u32 $0x1, s1  }
0x8c: {  	s14 =	sshll.u32 s0, $0xA;
	s2 =	sadd.s32 s3, s2  }
0x8d: {  	s2 =	sadd.s32 s2, s14  }
0x8e: {  	[smem:$0x3FBD] =	sst s2  }
0x8f: {  	_ = 	snop  }
0x90: {  	s2 =	sld [smem:$0x3FD0]  }
0x91: {  	s15 =	sld [smem:$0x3FC7]  }
0x92: {  	s4 =	sld [smem:$0x3FC6]  }
0x93: {  	s6 =	simm.s32 $0xA;
	s7 =	simm.s32 $0x10;
	s5 =	sld [smem:$0x3FC5]  }
0x94: {  	[smem:s7], [sflag:s6] =	dma.local [hbm:s2], $0x1  }
0x95: {  	_ =	swait.eq [sflag:s6], $0x1  }
0x96: {  	[sflag:s6] =	ssyncset.done $0x0  }
0x97: {  	[sflag:s6] =	ssyncadd.s32 $0xFFFFFFFF  }
0x98: {  	s16 =	sld [smem:$0x10];
	(tm) =	ssettm $0x1  }
0x99: {  	s17 =	sld [smem:$0x3FFB];
	_ =	sdelay $0x3  }
0x9a: {  	_ =	strace s17  }
0x9b: {  	s6 =	sld [smem:$0x3FFC];
	_ =	sdelay $0x3  }
0x9c: {  	_ =	strace s6  }
0x9d: {  	s6 =	sld [smem:$0x3FFD];
	_ =	sdelay $0x3  }
0x9e: {  	_ =	strace s6  }
0x9f: {  	_ =	strace $0x8FFFFFFF  }
0xa0: {  	s18 =	sld [smem:$0x3FDB];
	_ =	sdelay $0x1  }
0xa1: {  	s19 =	simm.s32 $_scs_section_size  }
0xa2: {  	s8 =	simm.s32 $_size__tile_overlayer_lowered;
	s9 =	simm.s32 $_tile_overlayer_lowered  }
0xa3: {  	s22 =	simm.s32 $0x1BFF;
	s21 =	sshll.u32 s9, $0x1;
	s6 =	sadd.s32 s19, s18  }
0xa4: {  	s10 =	simm.s32 $0x0;
	s20 =	sshll.u32 s8, $0x1;
	s8 =	sadd.s32 s21, s6  }
0xa5: {  	[timem:s10], [sflag:s22] =	dma.local [hbm:s8], s20  }
0xa6: {  	_ =	swait.ge [sflag:s22], s20  }
0xa7: {  	s7 =	ssub.s32 $0x0, s20;
	[sflag:s22] =	ssyncset.done $0x0  }
0xa8: {  	[sflag:s22] =	ssyncadd.s32 s7;
	_ =	sdelay $0x1  }
0xa9: {  	s23 =	simm.s32 $0x1B8B  }
0xaa: {  	_ =	swait.ge [sflag:s23], $0x1  }
0xab: {  	[sflag:s23] =	ssyncset.done $0x0  }
0xac: {  	s25 =	simm.s32 $0x1B8E;
	s24 =	sld [smem:$0x3FFE];
	[sflag:s23] =	ssyncadd.s32 $0xFFFFFFFF  }
0xad: {  	s26 =	simm.s32 $execute0_lowered;
	[smem:$0x3FD2] =	sst s25  }
0xae: {  	s8 =	sshll.u32 s26, $0x1;
	_ =	strace $0x80000046;
	[dreg:$0x1] =	wrdreg $0xFFFFFFFF  }
0xaf: {  	s28 =	simm.s32 $_size_execute0_lowered;
	s6 =	sadd.s32 s6, s8;
	[dreg:$0x0] =	wrdreg $0x0  }
0xb0: {  	s8 =	sshll.u32 s28, $0x1;
	[dreg:$0x2] =	wrdreg s6  }
0xb1: {  	[dreg:$0x3] =	wrdreg s8  }
0xb2: {  	[dreg:$0x4] =	wrdreg $0xC0  }
0xb3: {  	_ =	task [dreg:s10], $0x5FFFF  }
0xb4: {  	[dreg:$0x1] =	wrdreg $0xFFFFFFFF  }
0xb5: {  	[dreg:$0x0] =	wrdreg $0x60  }
0xb6: {  	[dreg:$0x2] =	wrdreg s15  }
0xb7: {  	[dreg:$0x3] =	wrdreg s4  }
0xb8: {  	[dreg:$0x4] =	wrdreg s5  }
0xb9: {  	[dreg:$0x5] =	wrdreg s16  }
0xba: {  	[dreg:$0x6] =	wrdreg s24  }
0xbb: {  	[dreg:$0x7] =	wrdreg $0x9  }
0xbc: {  	_ =	task.clear_ibuf [dreg:s10], $0x8FFFF;
	_ =	strace $0x90000046  }
0xbd: {  	s29 =	simm.s32 $0x9;
	_ =	strace $0x80000048  }
0xbe: {  	_ =	swait.ge [sflag:s29], $0x1  }
0xbf: {  	[sflag:s29] =	ssyncadd.s32 $0xFFFFFFFF  }
0xc0: {  	_ =	strace $0x90000048  }
0xc1: {  	_ =	sfence  }
0xc2: {  	s30 =	sld [smem:$0x0];
	_ =	sdelay $0x2  }
0xc3: {  	s31 =	sshll.u32 s1, $0xD;
	s1 =	sshrl.u32 s1, $0x2  }
0xc4: {  	s3 =	sand.u32 $0x4000, s31;
	s1 =	sadd.s32 s1, s30  }
0xc5: {  	s0 =	sor.u32 s3, s0;
	s1 =	sshll.u32 s1, $0x11  }
0xc6: {  	s0 =	sor.u32 s1, s0  }
0xc7: {  	s0 =	sadd.s32 $0x8F2B, s0  }
0xc8: {  	[sflag:s0] =	ssyncadd.remote.s32 $0x1  }
0xc9: {  	_ =	sfence.sel $0xFFFF  }
0xca: {  	[dreg:$0x0] =	wrdreg $0xFFFFFFFF;
	(pc) =	sbr.abs _section_cstart, $3  }
0xcb: {  	[dreg:$0x1] =	wrdreg $0xFFFFFFFF  }
0xcc: {  	_ =	task.clear_ibuf [dreg:s10], $0x2FFFF;
	_ =	strace $0x9FFFFFFF  }
0xcd: {  	(tm) =	ssettm $0x7FFFFFFF  }
tec
execute0_lowered:
.L_overlay_start_1:
0x0: {  	(tag) =	ssettag $0x1  }
0x1: {  	s1 =	rddreg [dreg:$0x0]  }
0x2: {  	s2 =	rddreg [dreg:$0x1]  }
0x3: {  	s3 =	rddreg [dreg:$0x2]  }
0x4: {  	s0 =	srdreg.scid;
	s5 =	rddreg [dreg:$0x3]  }
0x5: {  	s4 =	stileid.u32;
	s7 =	rddreg [dreg:$0x4];
	s6 =	simm.s32 $0x0  }
0x6: {  	s28 =	simm.s32 $0xC400;
	s29 =	simm.s32 $0x1;
	s30 =	simm.s32 $0xC800  }
0x7: {  	s31 =	simm.s32 $0x2;
	s0 =	sand.u32 $0x1, s0;
	s4 =	sshll.u32 s4, $0x1  }
0x8: {  	[smem:$0x7FF] =	sst s6;
	s7 =	sadd.s32 $0xC00, s7;
	s4 =	sor.u32 s0, s4  }
0x9: {  	s0 =	ssub.s32 $0x2, s0;
	_ =	strace $0x80000047;
	s8 =	smul.u32 $0x60, s4  }
0xa: {  	s10 =	sshrl.u32 s0, $0x1;
	s16 =	smul.u32 $0x18000, s4;
	s4 =	simm.s32 $0xE800  }
0xb: {  	s0 =	ssub.s32 s0, s10;
	s9 =	sadd.s32 $0x1400, s8;
	s22 =	sadd.s32 $0x1408, s8  }
0xc: {  	s17 =	sadd.s32 $0x1410, s8;
	s0 =	smax.u32 s0, $0x1;
	s11 =	sshll.u32 s9, $0x7  }
0xd: {  	s18 =	sor.u32 $0x8, s8;
	[dreg:$0xe] =	wrdreg s0;
	s20 =	sadd.s32 s1, s11  }
0xe: {  	s19 =	sadd.s32 $0x1418, s8;
	s21 =	sadd.s32 s2, s11;
	[dreg:$0x6] =	wrdreg s20  }
0xf: {  	s9 =	sshll.u32 s9, $0x4;
	s11 =	sadd.s32 s3, s11;
	[dreg:$0x7] =	wrdreg s21  }
0x10: {  	s23 =	sshll.u32 s22, $0x7;
	s9 =	sadd.s32 s5, s9;
	[dreg:$0x8] =	wrdreg s11  }
.Ltmp0:
0x11: {  	s24 =	sadd.s32 s1, s23;
	[dreg:$0x9] =	wrdreg s9;
	(pc) =	sbr.rel .LBB2_1-.Ltmp0, $4  }
0x12: {  	s10 =	sshll.u32 s22, $0x4;
	s25 =	sadd.s32 s2, s23;
	[dreg:$0xa] =	wrdreg s24  }
0x13: {  	s22 =	simm.s32 $0x0;
	s26 =	sadd.s32 s5, s10;
	[dreg:$0xb] =	wrdreg s25  }
0x14: {  	s9 =	sadd.s32 s3, s23;
	[dreg:$0xd] =	wrdreg s26;
	s24 =	simm.s32 $0x2000  }
0x15: {  	s25 =	simm.s32 $0x6000;
	s26 =	simm.s32 $0xA000;
	[dreg:$0xc] =	wrdreg s9  }
.LBB2_12:
0x16: {  	s0 =	simm.s32 $0x3  }
0x17: {  	_ =	swait.ge [sflag:s0], $0x2000  }
0x18: {  	[sflag:s0] =	ssyncset.done $0x0  }
0x19: {  	s8 =	simm.s32 $0x4;
	[sflag:s0] =	ssyncadd.s32 $0xFFFFE000  }
0x1a: {  	_ =	swait.ge [sflag:s8], $0x2000  }
0x1b: {  	s22 =	sadd.s32 $0x1, s22;
	s23 =	rddreg [dreg:$0xe]  }
0x1c: {  	p0 =	sne.s32 s22, s23  }
.Ltmp1:
0x1d: {  	_ = 	snop;
	(pc) =	sbr.rel @!p0 .LBB2_13-.Ltmp1, $3  }
0x1e: {  	_ =	sdelay $0x1  }
0x1f: {  	[sflag:s8] =	ssyncset.done $0x0  }
0x20: {  	[sflag:s8] =	ssyncadd.s32 $0xFFFFE000  }
.LBB2_1:
0x21: {  	s0 =	rddreg [dreg:$0x6]  }
0x22: {  	[tilespmem:s6], [sflag:$0x1] =	stream.linear.gather [hbm4b:s0+s6], $0x2000, $0x38;
	[tilespmem:$0x10800] =	vst v63  }
0x23: {  	s10 =	rddreg [dreg:$0x7];
	s8 =	simm.s32 $0x4000  }
0x24: {  	[tilespmem:s8], [sflag:$0x1] =	stream.linear.gather [hbm4b:s10+s6], $0x2000, $0x38;
	[tilespmem:$0x10800] =	vst v63  }
0x25: {  	s11 =	rddreg [dreg:$0x8];
	s12 =	simm.s32 $0x8000  }
0x26: {  	[tilespmem:s12], [sflag:$0x1] =	stream.linear.gather [hbm4b:s11+s6], $0x2000, $0x38;
	[tilespmem:$0x10800] =	vst v63  }
0x27: {  	s13 =	rddreg [dreg:$0x9];
	s14 =	simm.s32 $0xC000  }
0x28: {  	[tilespmem:s14], [sflag:$0x1] =	stream.linear.gather [hbm4b:s13+s6], $0x400, $0x38;
	[tilespmem:$0x10800] =	vst v63  }
0x29: {  	s15 =	rddreg [dreg:$0xa]  }
0x2a: {  	[tilespmem:s24], [sflag:$0x2] =	stream.linear.gather [hbm4b:s15+s6], $0x2000, $0x38;
	[tilespmem:$0x10800] =	vst v63  }
0x2b: {  	s20 =	rddreg [dreg:$0xb]  }
0x2c: {  	[tilespmem:s25], [sflag:$0x2] =	stream.linear.gather [hbm4b:s20+s6], $0x2000, $0x38;
	[tilespmem:$0x10800] =	vst v63  }
0x2d: {  	s21 =	rddreg [dreg:$0xc]  }
0x2e: {  	[tilespmem:s26], [sflag:$0x2] =	stream.linear.gather [hbm4b:s21+s6], $0x2000, $0x38;
	[tilespmem:$0x10800] =	vst v63  }
0x2f: {  	s23 =	rddreg [dreg:$0xd]  }
0x30: {  	[tilespmem:s28], [sflag:$0x2] =	stream.linear.gather [hbm4b:s23+s6], $0x400, $0x38;
	[tilespmem:$0x10800] =	vst v63  }
0x31: {  	s23 =	simm.s32 $0x0  }
.LBB2_2:
0x32: {  	_ =	swait.ge [sflag:s29], $0x2000  }
0x33: {  	[sflag:s29] =	ssyncset.done $0x0  }
0x34: {  	[sflag:s29] =	ssyncadd.s32 $0xFFFFE000  }
0x35: {  	_ =	swait.ge [sflag:s29], $0x2000  }
0x36: {  	[sflag:s29] =	ssyncset.done $0x0  }
0x37: {  	[sflag:s29] =	ssyncadd.s32 $0xFFFFE000  }
0x38: {  	_ =	swait.ge [sflag:s29], $0x2000  }
0x39: {  	[sflag:s29] =	ssyncset.done $0x0  }
0x3a: {  	[sflag:s29] =	ssyncadd.s32 $0xFFFFE000  }
0x3b: {  	_ =	swait.ge [sflag:s29], $0x400  }
0x3c: {  	p0 =	seq.s32 s23, $0x0;
	[sflag:s29] =	ssyncset.done $0x0  }
0x3d: {  	s0 =	simm.s32 @!p0 $0x3;
	[sflag:s29] =	ssyncadd.s32 $0xFFFFFC00  }
0x3e: {  	s8 =	sshll.u32 s23, $0x4;
	s9 =	simm.s32 $0x0;
	_ =	swait.ge @!p0 [sflag:s0], $0x2000  }
0x3f: {  	s14 =	simm.s32 $0xC840;
	s21 =	simm.s32 $0x8040;
	[sflag:s0] =	ssyncset.done @!p0 $0x0  }
0x40: {  	s13 =	simm.s32 $0x40;
	[sflag:s0] =	ssyncadd.s32 @!p0 $0xFFFFE000;
	s0 =	simm.s32 $0x4040  }
.LBB2_3:
0x41: {  	v3 =	vld [tilespmem:s13+$0x30]  }
0x42: {  	v4 =	vld [tilespmem:s0+$0x30]  }
0x43: {  	v5 =	vld [tilespmem:s0+$0xFFFFFFC0]  }
0x44: {  	v6 =	vld [tilespmem:s21+$0x30]  }
0x45: {  	v7 =	vld [tilespmem:s13+$0xFFFFFFD0]  }
0x46: {  	v8 =	vld [tilespmem:s0+$0xFFFFFFD0]  }
0x47: {  	v9 =	vld [tilespmem:s13+$0xFFFFFFE0]  }
0x48: {  	v10 =	vld [tilespmem:s0+$0xFFFFFFE0]  }
0x49: {  	v11 =	vld [tilespmem:s13+$0xFFFFFFF0]  }
0x4a: {  	v12 =	vld [tilespmem:s0+$0xFFFFFFF0]  }
0x4b: {  	s10 =	sshll.u32 s9, $0x7;
	v13 =	vld [tilespmem:s13+$0x0]  }
0x4c: {  	v1 =	vld [tilespmem:s10+$0xC000]  }
0x4d: {  	v2 =	vld [tilespmem:s10+$0xC010]  }
0x4e: {  	v0 =	vld [tilespmem:s10+$0xC020]  }
0x4f: {  	v14 =	vld [tilespmem:s0+$0x0]  }
0x50: {  	v15 =	vld [tilespmem:s13+$0x10]  }
0x51: {  	v16 =	vld [tilespmem:s0+$0x10];
	v3 =	vmul.f32 v3, v1  }
0x52: {  	v18 =	vld [tilespmem:s0+$0x20];
	v4 =	vmul.f32 v4, v2;
	v17 =	vmul.f32 v5, v2  }
0x53: {  	v19 =	vld [tilespmem:s13+$0xFFFFFFC0];
	v6 =	vmul.f32 v6, v0;
	v7 =	vmul.f32 v7, v1  }
0x54: {  	v5 =	vld [tilespmem:s13+$0x20];
	v13 =	vmul.f32 v13, v1;
	v3 =	vadd.f32 v4, v3;
	v4 =	vmul.f32 v8, v2  }
0x55: {  	v20 =	vld [tilespmem:s21+$0xFFFFFFC0];
	v8 =	vmul.f32 v9, v1;
	v9 =	vmul.f32 v10, v2  }
0x56: {  	v22 =	vld [tilespmem:s21+$0xFFFFFFD0];
	v10 =	vmul.f32 v11, v1;
	v21 =	vadd.f32 v6, v3;
	v6 =	vmul.f32 v12, v2  }
0x57: {  	v3 =	vadd.f32 v4, v7;
	v7 =	vmul.f32 v14, v2;
	v14 =	vmul.f32 v15, v1;
	v12 =	vld [tilespmem:s21+$0xFFFFFFE0]  }
0x58: {  	v4 =	vadd.f32 v9, v8;
	v8 =	vmul.f32 v16, v2;
	v9 =	vld [tilespmem:s21+$0xFFFFFFF0];
	v16 =	vmul.f32 v18, v2  }
0x59: {  	v11 =	vld [tilespmem:s21+$0x0];
	v18 =	vmul.f32 v19, v1;
	v15 =	vmul.f32 v5, v1;
	v5 =	vadd.f32 v6, v10  }
0x5a: {  	s15 =	simm.s32 $0x0;
	s20 =	sadd.s32 $0x400, s13;
	v6 =	vadd.f32 v7, v13;
	v7 =	vadd.f32 v8, v14;
	v14 =	vmul.f32 v20, v0;
	v10 =	vld [tilespmem:s21+$0x10]  }
0x5b: {  	s12 =	smov.u32 s0;
	s11 =	smov.u32 s21;
	s10 =	smov.u32 s14;
	[tilespmem:s14+$0x30] =	vst v21;
	v13 =	vld [tilespmem:s21+$0x20];
	v8 =	vadd.f32 v16, v15;
	v15 =	vadd.f32 v17, v18;
	v16 =	vmul.f32 v22, v0  }
.LBB2_4:
0x5c: {  	v17 =	vld [tilespmem:s20+$0x30];
	v12 =	vmul.f32 v12, v0;
	s12 =	sadd.s32 $0x400, s12  }
0x5d: {  	s15 =	sadd.s32 $0x80, s15;
	v18 =	vld [tilespmem:s12+$0x30];
	v14 =	vadd.f32 v14, v15;
	v3 =	vadd.f32 v16, v3;
	v9 =	vmul.f32 v9, v0  }
0x5e: {  	s11 =	sadd.s32 $0x400, s11;
	p1 =	slt.u32 s15, $0x380;
	v15 =	vld [tilespmem:s12+$0xFFFFFFC0];
	v4 =	vadd.f32 v12, v4;
	v11 =	vmul.f32 v11, v0  }
0x5f: {  	v12 =	vld [tilespmem:s11+$0x30];
	[tilespmem:s10+$0xFFFFFFC0] =	vst v14;
	v5 =	vadd.f32 v9, v5;
	v9 =	vmul.f32 v10, v0  }
0x60: {  	v10 =	vld [tilespmem:s20+$0xFFFFFFD0];
	[tilespmem:s10+$0xFFFFFFD0] =	vst v3;
	v3 =	vadd.f32 v11, v6;
	v6 =	vmul.f32 v13, v0  }
0x61: {  	v11 =	vld [tilespmem:s12+$0xFFFFFFD0];
	[tilespmem:s10+$0xFFFFFFE0] =	vst v4;
	v4 =	vadd.f32 v9, v7  }
0x62: {  	v9 =	vmul.f32 v17, v1;
	v7 =	vld [tilespmem:s20+$0xFFFFFFE0];
	v13 =	vmul.f32 v18, v2;
	[tilespmem:s10+$0xFFFFFFF0] =	vst v5;
	v5 =	vadd.f32 v6, v8  }
0x63: {  	v15 =	vmul.f32 v15, v2;
	v6 =	vld [tilespmem:s12+$0xFFFFFFE0];
	[tilespmem:s10+$0x0] =	vst v3  }
0x64: {  	v8 =	vld [tilespmem:s20+$0xFFFFFFF0];
	v3 =	vadd.f32 v13, v9;
	v9 =	vmul.f32 v12, v0;
	[tilespmem:s10+$0x10] =	vst v4  }
0x65: {  	v4 =	vmul.f32 v10, v1;
	v10 =	vld [tilespmem:s12+$0xFFFFFFF0];
	[tilespmem:s10+$0x20] =	vst v5  }
0x66: {  	v5 =	vmul.f32 v11, v2;
	v11 =	vld [tilespmem:s20+$0x0];
	v9 =	vadd.f32 v9, v3  }
0x67: {  	s10 =	sadd.s32 $0x400, s10;
	v7 =	vmul.f32 v7, v1;
	v12 =	vld [tilespmem:s12+$0x0]  }
0x68: {  	v3 =	vadd.f32 v5, v4;
	v4 =	vmul.f32 v6, v2;
	v6 =	vld [tilespmem:s20+$0x10];
	[tilespmem:s10+$0x30] =	vst v9  }
0x69: {  	v5 =	vmul.f32 v8, v1;
	v8 =	vld [tilespmem:s12+$0x10]  }
0x6a: {  	v4 =	vadd.f32 v4, v7;
	v7 =	vmul.f32 v10, v2;
	v9 =	vld [tilespmem:s20+$0x20]  }
0x6b: {  	v10 =	vmul.f32 v11, v1;
	v11 =	vld [tilespmem:s12+$0x20]  }
0x6c: {  	v13 =	vld [tilespmem:s20+$0xFFFFFFC0];
	v5 =	vadd.f32 v7, v5;
	v7 =	vmul.f32 v12, v2  }
0x6d: {  	v14 =	vld [tilespmem:s11+$0xFFFFFFC0];
	v16 =	vmul.f32 v6, v1  }
0x6e: {  	v17 =	vld [tilespmem:s11+$0xFFFFFFD0];
	v6 =	vadd.f32 v7, v10;
	v7 =	vmul.f32 v8, v2  }
.Ltmp2:
0x6f: {  	v12 =	vld [tilespmem:s11+$0xFFFFFFE0];
	v8 =	vmul.f32 v9, v1;
	(pc) =	sbr.rel @p1 .LBB2_4-.Ltmp2, $4  }
0x70: {  	v9 =	vld [tilespmem:s11+$0xFFFFFFF0];
	v7 =	vadd.f32 v7, v16;
	v16 =	vmul.f32 v11, v2  }
0x71: {  	v13 =	vmul.f32 v13, v1;
	v11 =	vld [tilespmem:s11+$0x0]  }
0x72: {  	v14 =	vmul.f32 v14, v0;
	v10 =	vld [tilespmem:s11+$0x10];
	v8 =	vadd.f32 v16, v8  }
0x73: {  	s20 =	sadd.s32 $0x400, s20;
	v15 =	vadd.f32 v15, v13;
	v16 =	vmul.f32 v17, v0;
	v13 =	vld [tilespmem:s11+$0x20]  }
0x74: {  	_ = 	snop  }
0x75: {  	v1 =	vmul.f32 v12, v0;
	v2 =	vadd.f32 v14, v15  }
0x76: {  	v3 =	vadd.f32 v16, v3;
	v9 =	vmul.f32 v9, v0  }
0x77: {  	s9 =	sadd.s32 $0x1, s9;
	v1 =	vadd.f32 v1, v4;
	v58 =	vmul.f32 v11, v0;
	[tilespmem:s10+$0xFFFFFFC0] =	vst v2  }
0x78: {  	p1 =	sne.s32 s9, $0x8;
	v59 =	vadd.f32 v9, v5;
	v60 =	vmul.f32 v10, v0;
	[tilespmem:s10+$0xFFFFFFD0] =	vst v3  }
.Ltmp3:
0x79: {  	v61 =	vadd.f32 v58, v6;
	v62 =	vmul.f32 v13, v0;
	[tilespmem:s10+$0xFFFFFFE0] =	vst v1;
	(pc) =	sbr.rel @p1 .LBB2_3-.Ltmp3, $4  }
0x7a: {  	v63 =	vadd.f32 v60, v7;
	[tilespmem:s10+$0xFFFFFFF0] =	vst v59  }
0x7b: {  	v0 =	vadd.f32 v62, v8;
	[tilespmem:s10+$0x0] =	vst v61  }
0x7c: {  	s14 =	sadd.s32 $0x80, s14;
	[tilespmem:s10+$0x10] =	vst v63  }
0x7d: {  	s21 =	sadd.s32 $0x80, s21;
	s0 =	sadd.s32 $0x80, s0;
	s13 =	sadd.s32 $0x80, s13;
	[tilespmem:s10+$0x20] =	vst v0  }
0x7e: {  	s0 =	sshll.u32 s23, $0xE  }
0x7f: {  	s0 =	sadd.s32 s16, s0  }
0x80: {  	s0 =	sshrl.u32 s0, $0x3  }
0x81: {  	p1 =	seq.s32 s23, $0x5;
	s0 =	sadd.s32 s7, s0  }
0x82: {  	[hbm4b:s0+s6] =	stream.linear.scatter [tilespmem:s30], [sflag:$0x3], $0x2000, $0x38;
	[tilespmem:$0x10800] =	vst v63  }
0x83: {  	s0 =	sadd.s32 @!p1 s8, s17  }
0x84: {  	s9 =	sshll.u32 @!p1 s0, $0x7  }
0x85: {  	s11 =	simm.s32 @!p1 $0x0;
	s10 =	sadd.s32 @!p1 s1, s9  }
0x86: {  	[tilespmem:s11], [sflag:$0x1] =	stream.linear.gather @!p1 [hbm4b:s10+s11], $0x2000, $0x38;
	[tilespmem:$0x10800] =	vst v63  }
0x87: {  	s12 =	simm.s32 @!p1 $0x4000;
	s10 =	sadd.s32 @!p1 s2, s9  }
0x88: {  	[tilespmem:s12], [sflag:$0x1] =	stream.linear.gather @!p1 [hbm4b:s10+s11], $0x2000, $0x38;
	[tilespmem:$0x10800] =	vst v63  }
0x89: {  	s0 =	sshll.u32 @!p1 s0, $0x4;
	s9 =	sadd.s32 @!p1 s3, s9;
	s10 =	simm.s32 @!p1 $0x8000  }
0x8a: {  	[tilespmem:s10], [sflag:$0x1] =	stream.linear.gather @!p1 [hbm4b:s9+s11], $0x2000, $0x38;
	[tilespmem:$0x10800] =	vst v63  }
0x8b: {  	s0 =	sadd.s32 @!p1 s5, s0;
	s9 =	simm.s32 @!p1 $0xC000  }
0x8c: {  	[tilespmem:s9], [sflag:$0x1] =	stream.linear.gather @!p1 [hbm4b:s0+s11], $0x400, $0x38;
	[tilespmem:$0x10800] =	vst v63  }
0x8d: {  	_ =	swait.ge [sflag:s31], $0x2000  }
0x8e: {  	[sflag:s31] =	ssyncset.done $0x0  }
0x8f: {  	[sflag:s31] =	ssyncadd.s32 $0xFFFFE000  }
0x90: {  	_ =	swait.ge [sflag:s31], $0x2000  }
0x91: {  	[sflag:s31] =	ssyncset.done $0x0  }
0x92: {  	[sflag:s31] =	ssyncadd.s32 $0xFFFFE000  }
0x93: {  	_ =	swait.ge [sflag:s31], $0x2000  }
0x94: {  	[sflag:s31] =	ssyncset.done $0x0  }
0x95: {  	[sflag:s31] =	ssyncadd.s32 $0xFFFFE000  }
0x96: {  	_ =	swait.ge [sflag:s31], $0x400  }
0x97: {  	[sflag:s31] =	ssyncset.done $0x0  }
0x98: {  	s0 =	simm.s32 @!p0 $0x4;
	[sflag:s31] =	ssyncadd.s32 $0xFFFFFC00  }
0x99: {  	s13 =	simm.s32 $0x2070;
	_ =	swait.ge @!p0 [sflag:s0], $0x2000  }
0x9a: {  	s12 =	simm.s32 $0x6070;
	s10 =	simm.s32 $0xE870;
	[sflag:s0] =	ssyncset.done @!p0 $0x0  }
0x9b: {  	s9 =	simm.s32 $0x0;
	s11 =	simm.s32 $0xA070;
	[sflag:s0] =	ssyncadd.s32 @!p0 $0xFFFFE000  }
.LBB2_7:
0x9c: {  	v3 =	vld [tilespmem:s13+$0x0]  }
0x9d: {  	v4 =	vld [tilespmem:s12+$0x0]  }
0x9e: {  	v5 =	vld [tilespmem:s12+$0xFFFFFF90]  }
0x9f: {  	v6 =	vld [tilespmem:s11+$0x0]  }
0xa0: {  	v7 =	vld [tilespmem:s13+$0xFFFFFFA0]  }
0xa1: {  	v8 =	vld [tilespmem:s12+$0xFFFFFFA0]  }
0xa2: {  	v9 =	vld [tilespmem:s13+$0xFFFFFFB0]  }
0xa3: {  	v10 =	vld [tilespmem:s12+$0xFFFFFFB0]  }
0xa4: {  	v11 =	vld [tilespmem:s13+$0xFFFFFFC0]  }
0xa5: {  	v12 =	vld [tilespmem:s12+$0xFFFFFFC0]  }
0xa6: {  	s0 =	sshll.u32 s9, $0x7;
	v13 =	vld [tilespmem:s13+$0xFFFFFFD0]  }
0xa7: {  	v1 =	vld [tilespmem:s0+$0xC400]  }
0xa8: {  	v2 =	vld [tilespmem:s0+$0xC410]  }
0xa9: {  	v0 =	vld [tilespmem:s0+$0xC420]  }
0xaa: {  	v14 =	vld [tilespmem:s12+$0xFFFFFFD0]  }
0xab: {  	v15 =	vld [tilespmem:s13+$0xFFFFFFE0]  }
0xac: {  	v16 =	vld [tilespmem:s12+$0xFFFFFFE0];
	v3 =	vmul.f32 v3, v1  }
0xad: {  	v18 =	vld [tilespmem:s12+$0xFFFFFFF0];
	v4 =	vmul.f32 v4, v2;
	v17 =	vmul.f32 v5, v2  }
0xae: {  	v19 =	vld [tilespmem:s13+$0xFFFFFF90];
	v6 =	vmul.f32 v6, v0;
	v7 =	vmul.f32 v7, v1  }
0xaf: {  	v5 =	vld [tilespmem:s13+$0xFFFFFFF0];
	v13 =	vmul.f32 v13, v1;
	v3 =	vadd.f32 v4, v3;
	v4 =	vmul.f32 v8, v2  }
0xb0: {  	v20 =	vld [tilespmem:s11+$0xFFFFFF90];
	v8 =	vmul.f32 v9, v1;
	v9 =	vmul.f32 v10, v2  }
0xb1: {  	v22 =	vld [tilespmem:s11+$0xFFFFFFA0];
	v10 =	vmul.f32 v11, v1;
	v21 =	vadd.f32 v6, v3;
	v6 =	vmul.f32 v12, v2  }
0xb2: {  	v3 =	vadd.f32 v4, v7;
	v7 =	vmul.f32 v14, v2;
	v14 =	vmul.f32 v15, v1;
	v12 =	vld [tilespmem:s11+$0xFFFFFFB0]  }
0xb3: {  	v4 =	vadd.f32 v9, v8;
	v8 =	vmul.f32 v16, v2;
	v9 =	vld [tilespmem:s11+$0xFFFFFFC0];
	v16 =	vmul.f32 v18, v2  }
0xb4: {  	v11 =	vld [tilespmem:s11+$0xFFFFFFD0];
	v18 =	vmul.f32 v19, v1;
	v15 =	vmul.f32 v5, v1;
	v5 =	vadd.f32 v6, v10  }
0xb5: {  	s15 =	simm.s32 $0x0;
	s20 =	sadd.s32 $0x400, s13;
	v6 =	vadd.f32 v7, v13;
	v7 =	vadd.f32 v8, v14;
	v14 =	vmul.f32 v20, v0;
	v10 =	vld [tilespmem:s11+$0xFFFFFFE0]  }
0xb6: {  	s21 =	smov.u32 s11;
	s14 =	smov.u32 s10;
	s0 =	smov.u32 s12;
	[tilespmem:s10+$0x0] =	vst v21;
	v13 =	vld [tilespmem:s11+$0xFFFFFFF0];
	v8 =	vadd.f32 v16, v15;
	v15 =	vadd.f32 v17, v18;
	v16 =	vmul.f32 v22, v0  }
.LBB2_8:
0xb7: {  	v17 =	vld [tilespmem:s20+$0x0];
	v12 =	vmul.f32 v12, v0;
	s0 =	sadd.s32 $0x400, s0  }
0xb8: {  	s15 =	sadd.s32 $0x80, s15;
	v18 =	vld [tilespmem:s0+$0x0];
	v14 =	vadd.f32 v14, v15;
	v3 =	vadd.f32 v16, v3;
	v9 =	vmul.f32 v9, v0  }
0xb9: {  	s21 =	sadd.s32 $0x400, s21;
	p0 =	slt.u32 s15, $0x380;
	v15 =	vld [tilespmem:s0+$0xFFFFFF90];
	v4 =	vadd.f32 v12, v4;
	v11 =	vmul.f32 v11, v0  }
0xba: {  	v12 =	vld [tilespmem:s21+$0x0];
	[tilespmem:s14+$0xFFFFFF90] =	vst v14;
	v5 =	vadd.f32 v9, v5;
	v9 =	vmul.f32 v10, v0  }
0xbb: {  	v10 =	vld [tilespmem:s20+$0xFFFFFFA0];
	[tilespmem:s14+$0xFFFFFFA0] =	vst v3;
	v3 =	vadd.f32 v11, v6;
	v6 =	vmul.f32 v13, v0  }
0xbc: {  	v11 =	vld [tilespmem:s0+$0xFFFFFFA0];
	[tilespmem:s14+$0xFFFFFFB0] =	vst v4;
	v4 =	vadd.f32 v9, v7  }
0xbd: {  	v9 =	vmul.f32 v17, v1;
	v7 =	vld [tilespmem:s20+$0xFFFFFFB0];
	v13 =	vmul.f32 v18, v2;
	[tilespmem:s14+$0xFFFFFFC0] =	vst v5;
	v5 =	vadd.f32 v6, v8  }
0xbe: {  	v15 =	vmul.f32 v15, v2;
	v6 =	vld [tilespmem:s0+$0xFFFFFFB0];
	[tilespmem:s14+$0xFFFFFFD0] =	vst v3  }
0xbf: {  	v8 =	vld [tilespmem:s20+$0xFFFFFFC0];
	v3 =	vadd.f32 v13, v9;
	v9 =	vmul.f32 v12, v0;
	[tilespmem:s14+$0xFFFFFFE0] =	vst v4  }
0xc0: {  	v4 =	vmul.f32 v10, v1;
	v10 =	vld [tilespmem:s0+$0xFFFFFFC0];
	[tilespmem:s14+$0xFFFFFFF0] =	vst v5  }
0xc1: {  	v5 =	vmul.f32 v11, v2;
	v11 =	vld [tilespmem:s20+$0xFFFFFFD0];
	v9 =	vadd.f32 v9, v3  }
0xc2: {  	s14 =	sadd.s32 $0x400, s14;
	v7 =	vmul.f32 v7, v1;
	v12 =	vld [tilespmem:s0+$0xFFFFFFD0]  }
0xc3: {  	v3 =	vadd.f32 v5, v4;
	v4 =	vmul.f32 v6, v2;
	v6 =	vld [tilespmem:s20+$0xFFFFFFE0];
	[tilespmem:s14+$0x0] =	vst v9  }
0xc4: {  	v5 =	vmul.f32 v8, v1;
	v8 =	vld [tilespmem:s0+$0xFFFFFFE0]  }
0xc5: {  	v4 =	vadd.f32 v4, v7;
	v7 =	vmul.f32 v10, v2;
	v9 =	vld [tilespmem:s20+$0xFFFFFFF0]  }
0xc6: {  	v10 =	vmul.f32 v11, v1;
	v11 =	vld [tilespmem:s0+$0xFFFFFFF0]  }
0xc7: {  	v13 =	vld [tilespmem:s20+$0xFFFFFF90];
	v5 =	vadd.f32 v7, v5;
	v7 =	vmul.f32 v12, v2  }
0xc8: {  	v14 =	vld [tilespmem:s21+$0xFFFFFF90];
	v16 =	vmul.f32 v6, v1  }
0xc9: {  	v17 =	vld [tilespmem:s21+$0xFFFFFFA0];
	v6 =	vadd.f32 v7, v10;
	v7 =	vmul.f32 v8, v2  }
.Ltmp4:
0xca: {  	v12 =	vld [tilespmem:s21+$0xFFFFFFB0];
	v8 =	vmul.f32 v9, v1;
	(pc) =	sbr.rel @p0 .LBB2_8-.Ltmp4, $4  }
0xcb: {  	v9 =	vld [tilespmem:s21+$0xFFFFFFC0];
	v7 =	vadd.f32 v7, v16;
	v16 =	vmul.f32 v11, v2  }
0xcc: {  	v13 =	vmul.f32 v13, v1;
	v11 =	vld [tilespmem:s21+$0xFFFFFFD0]  }
0xcd: {  	v14 =	vmul.f32 v14, v0;
	v10 =	vld [tilespmem:s21+$0xFFFFFFE0];
	v8 =	vadd.f32 v16, v8  }
0xce: {  	s20 =	sadd.s32 $0x400, s20;
	v15 =	vadd.f32 v15, v13;
	v16 =	vmul.f32 v17, v0;
	v13 =	vld [tilespmem:s21+$0xFFFFFFF0]  }
0xcf: {  	_ = 	snop  }
0xd0: {  	v1 =	vmul.f32 v12, v0;
	v2 =	vadd.f32 v14, v15  }
0xd1: {  	v3 =	vadd.f32 v16, v3;
	v9 =	vmul.f32 v9, v0  }
0xd2: {  	s9 =	sadd.s32 $0x1, s9;
	v1 =	vadd.f32 v1, v4;
	v58 =	vmul.f32 v11, v0;
	[tilespmem:s14+$0xFFFFFF90] =	vst v2  }
0xd3: {  	p0 =	sne.s32 s9, $0x8;
	v59 =	vadd.f32 v9, v5;
	v60 =	vmul.f32 v10, v0;
	[tilespmem:s14+$0xFFFFFFA0] =	vst v3  }
.Ltmp5:
0xd4: {  	v61 =	vadd.f32 v58, v6;
	v62 =	vmul.f32 v13, v0;
	[tilespmem:s14+$0xFFFFFFB0] =	vst v1;
	(pc) =	sbr.rel @p0 .LBB2_7-.Ltmp5, $4  }
0xd5: {  	v63 =	vadd.f32 v60, v7;
	[tilespmem:s14+$0xFFFFFFC0] =	vst v59  }
0xd6: {  	v0 =	vadd.f32 v62, v8;
	[tilespmem:s14+$0xFFFFFFD0] =	vst v61  }
0xd7: {  	s10 =	sadd.s32 $0x80, s10;
	[tilespmem:s14+$0xFFFFFFE0] =	vst v63  }
0xd8: {  	s11 =	sadd.s32 $0x80, s11;
	s12 =	sadd.s32 $0x80, s12;
	s13 =	sadd.s32 $0x80, s13;
	[tilespmem:s14+$0xFFFFFFF0] =	vst v0  }
.Ltmp6:
0xd9: {  	(pc) =	sbr.rel @p1 .LBB2_12-.Ltmp6, $4  }
0xda: {  	s0 =	sadd.s32 s8, s18  }
0xdb: {  	s0 =	sshll.u32 s0, $0x7  }
0xdc: {  	s0 =	sadd.s32 s7, s0  }
0xdd: {  	[hbm4b:s0+s6] =	stream.linear.scatter [tilespmem:s4], [sflag:$0x4], $0x2000, $0x38;
	[tilespmem:$0x10800] =	vst v63  }
0xde: {  	s0 =	sadd.s32 s8, s19  }
0xdf: {  	s8 =	sshll.u32 s0, $0x7  }
0xe0: {  	s9 =	sadd.s32 s1, s8  }
0xe1: {  	[tilespmem:s24], [sflag:$0x2] =	stream.linear.gather [hbm4b:s9+s6], $0x2000, $0x38;
	[tilespmem:$0x10800] =	vst v63  }
0xe2: {  	s21 =	sadd.s32 s2, s8  }
0xe3: {  	[tilespmem:s25], [sflag:$0x2] =	stream.linear.gather [hbm4b:s21+s6], $0x2000, $0x38;
	[tilespmem:$0x10800] =	vst v63  }
.Ltmp7:
0xe4: {  	_ = 	snop;
	(pc) =	sbr.rel .LBB2_2-.Ltmp7, $4  }
0xe5: {  	s0 =	sshll.u32 s0, $0x4;
	s8 =	sadd.s32 s3, s8  }
0xe6: {  	[tilespmem:s26], [sflag:$0x2] =	stream.linear.gather [hbm4b:s8+s6], $0x2000, $0x38;
	[tilespmem:$0x10800] =	vst v63  }
0xe7: {  	s23 =	sadd.s32 $0x1, s23;
	s0 =	sadd.s32 s5, s0  }
0xe8: {  	[tilespmem:s28], [sflag:$0x2] =	stream.linear.gather [hbm4b:s0+s6], $0x400, $0x38;
	[tilespmem:$0x10800] =	vst v63  }
.LBB2_13:
0xe9: {  	_ =	sfence.sel $0x180000  }
0xea: {  	[bflag:$0x0] =	sbarrier.arrive $0xFFFF  }
0xeb: {  	_ =	strace $0x90000047  }
0xec: {  	s0 =	stileid.u32;
	[bflag:$0x2] =	sbarrier.arrive $0xFFFF  }
0xed: {  	p0 =	sne.s32 s0, $0x0;
	s0 =	rddreg [dreg:$0x5]  }
0xee: {  	s0 =	sadd.s32 @!p0 $0x100000, s0  }
0xef: {  	[sflag:s0] =	ssyncadd.tile.s32 @!p0 $0x1;
	_ =	shalt  }
.Lfunc_end2:
_tile_overlayer_lowered:
.L_overlay_start_2:
0xf0: {  	(tag) =	ssettag $0x2  }
0xf1: {  	s0 =	rddreg [dreg:$0x0];
	s2 =	stileid.u32  }
0xf2: {  	s1 =	rddreg [dreg:$0x1];
	p0 =	sne.s32 s2, $0x0  }
0xf3: {  	s3 =	rddreg [dreg:$0x2];
	[bflag:$0x3] =	sbarrier.arrive $0xFFFF;
	s2 =	simm.s32 @!p0 $0x1C05  }
0xf4: {  	[timem:s3], [sflag:s2] =	dma.local @!p0 [hbm:s0], s1  }
0xf5: {  	s0 =	simm.s32 @!p0 $0x5  }
0xf6: {  	_ =	swait.ge @!p0 [sflag:s0], s1  }
0xf7: {  	s1 =	ssub.s32 @!p0 $0x0, s1;
	[sflag:s0] =	ssyncset.done @!p0 $0x0  }
0xf8: {  	[sflag:s0] =	ssyncadd.s32 @!p0 s1  }
0xf9: {  	[bflag:$0x3] =	sbarrier.arrive $0xFFFF  }
0xfa: {  	_ =	shalt  }

</sc_bundles>
